<compile_context>
chip_gen: v7x
topology: tpu7x:2x2x1
jax: 0.10.2.dev20260603
libtpu: 0.0.44.dev20260713+nightly
codegen_flags: <defaults>
</compile_context>

<pallas_src>
import functools

import jax
import jax.numpy as jnp
from jax import lax
from jax.experimental import pallas as pl
from jax.experimental.pallas import tpu as pltpu
from jax.experimental.pallas import tpu_sc as plsc

N = 10000
D = 256
G = 64
NC = 2
NS = 16
NW = NC * NS
LANES = 16
NB = 1000
NBLK = N // NB
NR = NW + 1


def _sc_hits(ei, et, batch, *, e):
    mesh = plsc.VectorSubcoreMesh(core_axis_name="c", subcore_axis_name="s")

    CH = 128
    nch = e // CH
    qc = nch // NW
    rc = nch % NW
    buf_hi = (qc + 1) * CH
    buf_lo = qc * CH
    UNROLL = 8

    @functools.partial(
        pl.kernel,
        mesh=mesh,
        out_type=jax.ShapeDtypeStruct((NBLK * NR * NB,), jnp.int32),
        compiler_params=pltpu.CompilerParams(needs_layout_passes=False),
        scratch_types=[
            pltpu.VMEM((2, buf_hi), jnp.int32),
            pltpu.VMEM((2, buf_lo), jnp.int32),
            pltpu.VMEM((buf_hi,), jnp.int32),
            pltpu.VMEM((N,), jnp.int32),
            pltpu.VMEM((NB,), jnp.int32),
        ],
    )
    def sc_kernel(ei_hbm, et_hbm, b_hbm, out_hbm, ei_hi, ei_lo, et_v, hits_v, b_v):
        wid = lax.axis_index("s") * NC + lax.axis_index("c")
        base = (wid * qc + jnp.minimum(wid, rc)) * CH

        zeros16 = jnp.zeros((LANES,), jnp.int32)
        ZUN = 5

        def zero_body(i, carry):
            for u in range(ZUN):
                hits_v[pl.ds((i * ZUN + u) * LANES, LANES)] = zeros16
            return carry

        lax.fori_loop(0, N // (LANES * ZUN), zero_body, 0)

        ones16 = jnp.ones((LANES,), jnp.int32)

        def work(ei_v, nchunks):
            ept = nchunks * CH
            nvec = ept // LANES
            pltpu.sync_copy(ei_hbm.at[:, pl.ds(base, ept)], ei_v)
            pltpu.sync_copy(et_hbm.at[pl.ds(base, ept)], et_v.at[pl.ds(0, ept)])

            def scatter_one(j):
                sl = pl.ds(j * LANES, LANES)
                m = et_v[sl] == 1
                plsc.store_scatter(hits_v, [ei_v[0, sl]], ones16, mask=m)
                plsc.store_scatter(hits_v, [ei_v[1, sl]], ones16, mask=m)

            def edge_body(i, carry):
                for u in range(UNROLL):
                    scatter_one(i * UNROLL + u)
                return carry

            nun = nvec // UNROLL
            lax.fori_loop(0, nun, edge_body, 0)
            for u in range(nvec - nun * UNROLL):
                scatter_one(nun * UNROLL + u)

        if rc:
            @pl.when(wid < rc)
            def _():
                work(ei_hi, qc + 1)

            @pl.when(wid >= rc)
            def _():
                work(ei_lo, qc)
        else:
            work(ei_lo, qc)

        for k in range(NBLK):
            pltpu.sync_copy(
                hits_v.at[pl.ds(k * NB, NB)],
                out_hbm.at[pl.ds(k * NR * NB + wid * NB, NB)],
            )

        @pl.when(wid < NBLK)
        def _():
            pltpu.sync_copy(b_hbm.at[pl.ds(wid * NB, NB)], b_v)
            pltpu.sync_copy(b_v, out_hbm.at[pl.ds(wid * NR * NB + NW * NB, NB)])

    return sc_kernel(ei, et, batch)


def _tc_pool(x, w_row, b2, hb):

    def body(x_ref, w_ref, b_ref, hb_ref, out_ref):
        i = pl.program_id(0)
        xb = x_ref[...]
        logits = jnp.sum(xb * w_ref[...], axis=1) + b_ref[0, 0]
        wgt = 1.0 / (1.0 + jnp.exp(-logits))
        hitsum = jnp.sum(hb_ref[0, :NW, :], axis=0)
        wgt = jnp.where(hitsum > 0, 0.0, wgt)
        bb = hb_ref[0, NW, :]
        gids = lax.broadcasted_iota(jnp.int32, (G, NB), 0)
        sel = jnp.where(gids == bb[None, :], wgt[None, :], 0.0)
        contrib = jnp.dot(sel, xb, preferred_element_type=jnp.float32)

        @pl.when(i == 0)
        def _():
            out_ref[...] = contrib

        @pl.when(i > 0)
        def _():
            out_ref[...] += contrib

    return pl.pallas_call(
        body,
        grid=(NBLK,),
        in_specs=[
            pl.BlockSpec((NB, D), lambda i: (i, 0)),
            pl.BlockSpec((1, D), lambda i: (0, 0)),
            pl.BlockSpec((1, 1), lambda i: (0, 0)),
            pl.BlockSpec((1, NR, NB), lambda i: (i, 0, 0)),
        ],
        out_specs=pl.BlockSpec((G, D), lambda i: (0, 0)),
        out_shape=jax.ShapeDtypeStruct((G, D), jnp.float32),
        compiler_params=pltpu.CompilerParams(
            dimension_semantics=("arbitrary",),
        ),
    )(x, w_row, b2, hb)


def kernel(x, edge_index, etype, batch, W, b):
    e = edge_index.shape[1]
    hb = _sc_hits(
        edge_index.astype(jnp.int32),
        etype.astype(jnp.int32),
        batch.astype(jnp.int32),
        e=e,
    ).reshape(NBLK, NR, NB)

    w_row = W.astype(jnp.float32).reshape(1, D)
    b2 = b.astype(jnp.float32).reshape(1, 1)
    return _tc_pool(x, w_row, b2, hb)

# --- scband reference (transcript-rebuilt; emitter-appended) ---
"""Pipeline reference for scband-weight-and-sum-interface-py-g-72164040507912 (READ-ONLY COPY).

The authoritative reference and input builder live on the scoring server;
editing this copy changes nothing except your own understanding.
"""

import jax, jax.numpy as jnp
import numpy as np

N = 10000
E = 160000
D = 256
G = 64


def setup_inputs(seed: int = 0) -> dict:
    key = jax.random.key(seed)
    k1, k2, k3, k4, k5, k6 = jax.random.split(key, 6)
    x = jax.random.normal(k1, (N, D), dtype=jnp.float32)
    edge_index = jax.random.randint(k2, (2, E), 0, N)
    etype = jax.random.randint(k3, (E,), 0, 2)
    batch = jnp.sort(jax.random.randint(k4, (N,), 0, G))
    # parameters of atom_weighting = Linear(in_feats, 1) + Sigmoid
    W = jax.random.normal(k5, (D, 1), dtype=jnp.float32) * 0.05
    b = jax.random.normal(k6, (1,), dtype=jnp.float32) * 0.05
    return {"x": x, "edge_index": edge_index, "etype": etype, "batch": batch, "W": W, "b": b}


def reference(x, edge_index, etype, batch, W, b):
    # get_interface_nodes: edges with etype == 1, mark endpoints via fixed-shape scatter
    mask_e = (etype == 1).astype(jnp.int32)
    hits = jnp.zeros((x.shape[0],), dtype=jnp.int32)
    hits = hits.at[edge_index[0]].add(mask_e)
    hits = hits.at[edge_index[1]].add(mask_e)
    # calculate_weights: sigmoid(Linear(x)), zero out interface nodes
    weights = jax.nn.sigmoid(x @ W + b)  # [N, 1]
    node_mask = (hits > 0)[:, None]
    weights = jnp.where(node_mask, jnp.float32(0.0), weights)
    # weighted sum per graph (global_add_pool)
    weighted_x = x * weights
    h_g_sum = jax.ops.segment_sum(weighted_x, batch, num_segments=G)
    return h_g_sum

if __name__ == "__main__":
    import jax
    _d = setup_inputs()
    print(jax.jit(kernel)(*tuple(_d.values())))

</pallas_src>

<mosaic_0001>
#map = affine_map<(d0, d1) -> (0, 0)>
#map1 = affine_map<(d0, d1) -> (0)>
module attributes {stable_mosaic.version = 14 : i64} {
  func.func @sc_kernel(%arg0: i32, %arg1: i32, %arg2: memref<2x160000xi32, #tpu.memory_space<hbm>>, %arg3: memref<160000xi32, #tpu.memory_space<hbm>>, %arg4: memref<10000xi32, #tpu.memory_space<hbm>>, %arg5: memref<330000xi32, #tpu.memory_space<hbm>>, %arg6: memref<2x5120xi32, #tpu.memory_space<vmem>>, %arg7: memref<2x4992xi32, #tpu.memory_space<vmem>>, %arg8: memref<5120xi32, #tpu.memory_space<vmem>>, %arg9: memref<10000xi32, #tpu.memory_space<vmem>>, %arg10: memref<1000xi32, #tpu.memory_space<vmem>>) attributes {dimension_semantics = [#tpu.dimension_semantics<core_parallel>, #tpu.dimension_semantics<subcore_parallel>], iteration_bounds = array<i64: 2, 16>, scalar_prefetch = 0 : i64, scratch_operands = 5 : i64, tpu.core_type = #tpu.core_type<sc_vector_subcore>, window_params = [{transform_indices = #map}, {transform_indices = #map1}, {transform_indices = #map1}, {transform_indices = #map1}]} {
    %mul3A = arith.constant 2 : i32
    %mul3A_0 = arith.muli %arg1, %mul3A : i32
    %add3A = arith.addi %mul3A_0, %arg0 : i32
    %mul3A_1 = arith.constant 39 : i32
    %mul3A_2 = arith.muli %add3A, %mul3A_1 : i32
    %min3A = arith.constant 2 : i32
    %min3A_3 = arith.minsi %add3A, %min3A : i32
    %add3A_4 = arith.addi %mul3A_2, %min3A_3 : i32
    %mul3A_5 = arith.constant 128 : i32
    %mul3A_6 = arith.muli %add3A_4, %mul3A_5 : i32
    %broadcast_in_dim3A = arith.constant 0 : i32
    %broadcast_in_dim3A_7 = vector.broadcast %broadcast_in_dim3A : i32 to vector<16xi32>
    %scan3A = arith.constant 0 : i32
    %scan3A_8 = arith.constant 0 : i32
    %scan3A_9 = arith.constant 125 : i32
    %scan3A_10 = arith.addi %scan3A_8, %scan3A_9 : i32
    %scan3A_11 = arith.constant 1 : i32
    scf.for %scan3A_66 = %scan3A_8 to %scan3A_10 step %scan3A_11  : i32 {
      %mul3A_67 = arith.constant 5 : i32
      %mul3A_68 = arith.muli %scan3A_66, %mul3A_67 : i32
      %add3A_69 = arith.constant 0 : i32
      %add3A_70 = arith.addi %mul3A_68, %add3A_69 : i32
      %mul3A_71 = arith.constant 16 : i32
      %mul3A_72 = arith.muli %add3A_70, %mul3A_71 : i32
      %swap3A = arith.index_cast %mul3A_72 : i32 to index
      %swap3A_73 = tpu.vector_load %arg9[%swap3A] {strides = array<i32>} : memref<10000xi32, #tpu.memory_space<vmem>>, vector<16xi32>,
      tpu.vector_store %arg9[%swap3A], %broadcast_in_dim3A_7 {strides = array<i32>} : memref<10000xi32, #tpu.memory_space<vmem>>, vector<16xi32>,
      %mul3A_74 = arith.constant 5 : i32
      %mul3A_75 = arith.muli %scan3A_66, %mul3A_74 : i32
      %add3A_76 = arith.constant 1 : i32
      %add3A_77 = arith.addi %mul3A_75, %add3A_76 : i32
      %mul3A_78 = arith.constant 16 : i32
      %mul3A_79 = arith.muli %add3A_77, %mul3A_78 : i32
      %swap3A_80 = arith.index_cast %mul3A_79 : i32 to index
      %swap3A_81 = tpu.vector_load %arg9[%swap3A_80] {strides = array<i32>} : memref<10000xi32, #tpu.memory_space<vmem>>, vector<16xi32>,
      tpu.vector_store %arg9[%swap3A_80], %broadcast_in_dim3A_7 {strides = array<i32>} : memref<10000xi32, #tpu.memory_space<vmem>>, vector<16xi32>,
      %mul3A_82 = arith.constant 5 : i32
      %mul3A_83 = arith.muli %scan3A_66, %mul3A_82 : i32
      %add3A_84 = arith.constant 2 : i32
      %add3A_85 = arith.addi %mul3A_83, %add3A_84 : i32
      %mul3A_86 = arith.constant 16 : i32
      %mul3A_87 = arith.muli %add3A_85, %mul3A_86 : i32
      %swap3A_88 = arith.index_cast %mul3A_87 : i32 to index
      %swap3A_89 = tpu.vector_load %arg9[%swap3A_88] {strides = array<i32>} : memref<10000xi32, #tpu.memory_space<vmem>>, vector<16xi32>,
      tpu.vector_store %arg9[%swap3A_88], %broadcast_in_dim3A_7 {strides = array<i32>} : memref<10000xi32, #tpu.memory_space<vmem>>, vector<16xi32>,
      %mul3A_90 = arith.constant 5 : i32
      %mul3A_91 = arith.muli %scan3A_66, %mul3A_90 : i32
      %add3A_92 = arith.constant 3 : i32
      %add3A_93 = arith.addi %mul3A_91, %add3A_92 : i32
      %mul3A_94 = arith.constant 16 : i32
      %mul3A_95 = arith.muli %add3A_93, %mul3A_94 : i32
      %swap3A_96 = arith.index_cast %mul3A_95 : i32 to index
      %swap3A_97 = tpu.vector_load %arg9[%swap3A_96] {strides = array<i32>} : memref<10000xi32, #tpu.memory_space<vmem>>, vector<16xi32>,
      tpu.vector_store %arg9[%swap3A_96], %broadcast_in_dim3A_7 {strides = array<i32>} : memref<10000xi32, #tpu.memory_space<vmem>>, vector<16xi32>,
      %mul3A_98 = arith.constant 5 : i32
      %mul3A_99 = arith.muli %scan3A_66, %mul3A_98 : i32
      %add3A_100 = arith.constant 4 : i32
      %add3A_101 = arith.addi %mul3A_99, %add3A_100 : i32
      %mul3A_102 = arith.constant 16 : i32
      %mul3A_103 = arith.muli %add3A_101, %mul3A_102 : i32
      %swap3A_104 = arith.index_cast %mul3A_103 : i32 to index
      %swap3A_105 = tpu.vector_load %arg9[%swap3A_104] {strides = array<i32>} : memref<10000xi32, #tpu.memory_space<vmem>>, vector<16xi32>,
      tpu.vector_store %arg9[%swap3A_104], %broadcast_in_dim3A_7 {strides = array<i32>} : memref<10000xi32, #tpu.memory_space<vmem>>, vector<16xi32>,
    }
    %scan3A_12 = arith.constant 125 : i32
    %broadcast_in_dim3A_13 = arith.constant 1 : i32
    %broadcast_in_dim3A_14 = vector.broadcast %broadcast_in_dim3A_13 : i32 to vector<16xi32>
    %lt3A = arith.constant 2 : i32
    %lt3A_15 = arith.cmpi slt, %add3A, %lt3A : i32
    %convert_element_type3A = arith.extui %lt3A_15 : i1 to i32
    %cond3A = arith.constant 0 : i32
    %cond3A_16 = arith.cmpi ne, %convert_element_type3A, %cond3A : i32
    scf.if %cond3A_16 {
      "tpu.region"() ({
        %run_scoped3A = tpu.sem_alloc : memref<!tpu.dma_semaphore, #tpu.memory_space<semaphore_mem>>
        %dma_start3A = arith.constant 0 : i32
        %dma_start3A_72 = tpu.memref_slice %arg2[%dma_start3A, %mul3A_6] : memref<2x160000xi32, #tpu.memory_space<hbm>> -> memref<2x5120xi32, #tpu.memory_space<hbm>>
        %dma_start3A_73 = arith.constant 0 : i32
        %dma_start3A_74 = tpu.memref_slice %arg2[%dma_start3A_73, %mul3A_6] : memref<2x160000xi32, #tpu.memory_space<hbm>> -> memref<2x5120xi32, #tpu.memory_space<hbm>>
        tpu.enqueue_dma source(%dma_start3A_74 : memref<2x5120xi32, #tpu.memory_space<hbm>>) target(%arg6 : memref<2x5120xi32, #tpu.memory_space<vmem>>) target_semaphore(%run_scoped3A : memref<!tpu.dma_semaphore, #tpu.memory_space<semaphore_mem>>)
        %dma_wait3A = arith.constant 0 : i32
        %dma_wait3A_75 = tpu.memref_slice %arg2[%dma_wait3A, %mul3A_6] : memref<2x160000xi32, #tpu.memory_space<hbm>> -> memref<2x5120xi32, #tpu.memory_space<hbm>>
        %dma_wait3A_76 = arith.constant 0 : i32
        %dma_wait3A_77 = tpu.memref_slice %arg2[%dma_wait3A_76, %mul3A_6] : memref<2x160000xi32, #tpu.memory_space<hbm>> -> memref<2x5120xi32, #tpu.memory_space<hbm>>
        tpu.wait_dma2 semaphore(%run_scoped3A : memref<!tpu.dma_semaphore, #tpu.memory_space<semaphore_mem>>) src(%dma_wait3A_77 : memref<2x5120xi32, #tpu.memory_space<hbm>>) dst(%arg6 : memref<2x5120xi32, #tpu.memory_space<vmem>>)
        tpu.yield
      }) : () -> ()
      "tpu.region"() ({
        %run_scoped3A = tpu.sem_alloc : memref<!tpu.dma_semaphore, #tpu.memory_space<semaphore_mem>>
        %dma_start3A = arith.constant 0 : i32
        %dma_start3A_72 = tpu.memref_slice %arg8[%dma_start3A] : memref<5120xi32, #tpu.memory_space<vmem>> -> memref<5120xi32, #tpu.memory_space<vmem>>
        %dma_start3A_73 = tpu.memref_slice %arg3[%mul3A_6] : memref<160000xi32, #tpu.memory_space<hbm>> -> memref<5120xi32, #tpu.memory_space<hbm>>
        %dma_start3A_74 = arith.constant 0 : i32
        %dma_start3A_75 = tpu.memref_slice %arg8[%dma_start3A_74] : memref<5120xi32, #tpu.memory_space<vmem>> -> memref<5120xi32, #tpu.memory_space<vmem>>
        %dma_start3A_76 = tpu.memref_slice %arg3[%mul3A_6] : memref<160000xi32, #tpu.memory_space<hbm>> -> memref<5120xi32, #tpu.memory_space<hbm>>
        tpu.enqueue_dma source(%dma_start3A_76 : memref<5120xi32, #tpu.memory_space<hbm>>) target(%dma_start3A_75 : memref<5120xi32, #tpu.memory_space<vmem>>) target_semaphore(%run_scoped3A : memref<!tpu.dma_semaphore, #tpu.memory_space<semaphore_mem>>)
        %dma_wait3A = arith.constant 0 : i32
        %dma_wait3A_77 = tpu.memref_slice %arg8[%dma_wait3A] : memref<5120xi32, #tpu.memory_space<vmem>> -> memref<5120xi32, #tpu.memory_space<vmem>>
        %dma_wait3A_78 = tpu.memref_slice %arg3[%mul3A_6] : memref<160000xi32, #tpu.memory_space<hbm>> -> memref<5120xi32, #tpu.memory_space<hbm>>
        %dma_wait3A_79 = arith.constant 0 : i32
        %dma_wait3A_80 = tpu.memref_slice %arg8[%dma_wait3A_79] : memref<5120xi32, #tpu.memory_space<vmem>> -> memref<5120xi32, #tpu.memory_space<vmem>>
        %dma_wait3A_81 = tpu.memref_slice %arg3[%mul3A_6] : memref<160000xi32, #tpu.memory_space<hbm>> -> memref<5120xi32, #tpu.memory_space<hbm>>
        tpu.wait_dma2 semaphore(%run_scoped3A : memref<!tpu.dma_semaphore, #tpu.memory_space<semaphore_mem>>) src(%dma_wait3A_81 : memref<5120xi32, #tpu.memory_space<hbm>>) dst(%dma_wait3A_80 : memref<5120xi32, #tpu.memory_space<vmem>>)
        tpu.yield
      }) : () -> ()
      %scan3A_66 = arith.constant 0 : i32
      %scan3A_67 = arith.constant 0 : i32
      %scan3A_68 = arith.constant 40 : i32
      %scan3A_69 = arith.addi %scan3A_67, %scan3A_68 : i32
      %scan3A_70 = arith.constant 1 : i32
      scf.for %scan3A_72 = %scan3A_67 to %scan3A_69 step %scan3A_70  : i32 {
        %mul3A_73 = arith.constant 8 : i32
        %mul3A_74 = arith.muli %scan3A_72, %mul3A_73 : i32
        %add3A_75 = arith.constant 0 : i32
        %add3A_76 = arith.addi %mul3A_74, %add3A_75 : i32
        %mul3A_77 = arith.constant 16 : i32
        %mul3A_78 = arith.muli %add3A_76, %mul3A_77 : i32
        %get3A = arith.index_cast %mul3A_78 : i32 to index
        %get3A_79 = tpu.vector_load %arg8[%get3A] {strides = array<i32>} : memref<5120xi32, #tpu.memory_space<vmem>>, vector<16xi32>,
        %eq3A = arith.constant 1 : i32
        %eq3A_80 = vector.broadcast %eq3A : i32 to vector<16xi32>
        %eq3A_81 = arith.cmpi eq, %get3A_79, %eq3A_80 : vector<16xi32>
        %get3A_82 = arith.constant 0 : i32
        %get3A_83 = arith.index_cast %get3A_82 : i32 to index
        %get3A_84 = arith.index_cast %mul3A_78 : i32 to index
        %get3A_85 = tpu.vector_load %arg6[%get3A_83, %get3A_84] {strides = array<i32>} : memref<2x5120xi32, #tpu.memory_space<vmem>>, vector<16xi32>,
        tpu.vector_store_idx %arg9[%get3A_85], %broadcast_in_dim3A_14 masked %eq3A_81 : memref<10000xi32, #tpu.memory_space<vmem>>[vector<16xi32>], vector<16xi32>, vector<16xi1>
        %get3A_86 = arith.constant 1 : i32
        %get3A_87 = arith.index_cast %get3A_86 : i32 to index
        %get3A_88 = arith.index_cast %mul3A_78 : i32 to index
        %get3A_89 = tpu.vector_load %arg6[%get3A_87, %get3A_88] {strides = array<i32>} : memref<2x5120xi32, #tpu.memory_space<vmem>>, vector<16xi32>,
        tpu.vector_store_idx %arg9[%get3A_89], %broadcast_in_dim3A_14 masked %eq3A_81 : memref<10000xi32, #tpu.memory_space<vmem>>[vector<16xi32>], vector<16xi32>, vector<16xi1>
        %mul3A_90 = arith.constant 8 : i32
        %mul3A_91 = arith.muli %scan3A_72, %mul3A_90 : i32
        %add3A_92 = arith.constant 1 : i32
        %add3A_93 = arith.addi %mul3A_91, %add3A_92 : i32
        %mul3A_94 = arith.constant 16 : i32
        %mul3A_95 = arith.muli %add3A_93, %mul3A_94 : i32
        %get3A_96 = arith.index_cast %mul3A_95 : i32 to index
        %get3A_97 = tpu.vector_load %arg8[%get3A_96] {strides = array<i32>} : memref<5120xi32, #tpu.memory_space<vmem>>, vector<16xi32>,
        %eq3A_98 = arith.constant 1 : i32
        %eq3A_99 = vector.broadcast %eq3A_98 : i32 to vector<16xi32>
        %eq3A_100 = arith.cmpi eq, %get3A_97, %eq3A_99 : vector<16xi32>
        %get3A_101 = arith.constant 0 : i32
        %get3A_102 = arith.index_cast %get3A_101 : i32 to index
        %get3A_103 = arith.index_cast %mul3A_95 : i32 to index
        %get3A_104 = tpu.vector_load %arg6[%get3A_102, %get3A_103] {strides = array<i32>} : memref<2x5120xi32, #tpu.memory_space<vmem>>, vector<16xi32>,
        tpu.vector_store_idx %arg9[%get3A_104], %broadcast_in_dim3A_14 masked %eq3A_100 : memref<10000xi32, #tpu.memory_space<vmem>>[vector<16xi32>], vector<16xi32>, vector<16xi1>
        %get3A_105 = arith.constant 1 : i32
        %get3A_106 = arith.index_cast %get3A_105 : i32 to index
        %get3A_107 = arith.index_cast %mul3A_95 : i32 to index
        %get3A_108 = tpu.vector_load %arg6[%get3A_106, %get3A_107] {strides = array<i32>} : memref<2x5120xi32, #tpu.memory_space<vmem>>, vector<16xi32>,
        tpu.vector_store_idx %arg9[%get3A_108], %broadcast_in_dim3A_14 masked %eq3A_100 : memref<10000xi32, #tpu.memory_space<vmem>>[vector<16xi32>], vector<16xi32>, vector<16xi1>
        %mul3A_109 = arith.constant 8 : i32
        %mul3A_110 = arith.muli %scan3A_72, %mul3A_109 : i32
        %add3A_111 = arith.constant 2 : i32
        %add3A_112 = arith.addi %mul3A_110, %add3A_111 : i32
        %mul3A_113 = arith.constant 16 : i32
        %mul3A_114 = arith.muli %add3A_112, %mul3A_113 : i32
        %get3A_115 = arith.index_cast %mul3A_114 : i32 to index
        %get3A_116 = tpu.vector_load %arg8[%get3A_115] {strides = array<i32>} : memref<5120xi32, #tpu.memory_space<vmem>>, vector<16xi32>,
        %eq3A_117 = arith.constant 1 : i32
        %eq3A_118 = vector.broadcast %eq3A_117 : i32 to vector<16xi32>
        %eq3A_119 = arith.cmpi eq, %get3A_116, %eq3A_118 : vector<16xi32>
        %get3A_120 = arith.constant 0 : i32
        %get3A_121 = arith.index_cast %get3A_120 : i32 to index
        %get3A_122 = arith.index_cast %mul3A_114 : i32 to index
        %get3A_123 = tpu.vector_load %arg6[%get3A_121, %get3A_122] {strides = array<i32>} : memref<2x5120xi32, #tpu.memory_space<vmem>>, vector<16xi32>,
        tpu.vector_store_idx %arg9[%get3A_123], %broadcast_in_dim3A_14 masked %eq3A_119 : memref<10000xi32, #tpu.memory_space<vmem>>[vector<16xi32>], vector<16xi32>, vector<16xi1>
        %get3A_124 = arith.constant 1 : i32
        %get3A_125 = arith.index_cast %get3A_124 : i32 to index
        %get3A_126 = arith.index_cast %mul3A_114 : i32 to index
        %get3A_127 = tpu.vector_load %arg6[%get3A_125, %get3A_126] {strides = array<i32>} : memref<2x5120xi32, #tpu.memory_space<vmem>>, vector<16xi32>,
        tpu.vector_store_idx %arg9[%get3A_127], %broadcast_in_dim3A_14 masked %eq3A_119 : memref<10000xi32, #tpu.memory_space<vmem>>[vector<16xi32>], vector<16xi32>, vector<16xi1>
        %mul3A_128 = arith.constant 8 : i32
        %mul3A_129 = arith.muli %scan3A_72, %mul3A_128 : i32
        %add3A_130 = arith.constant 3 : i32
        %add3A_131 = arith.addi %mul3A_129, %add3A_130 : i32
        %mul3A_132 = arith.constant 16 : i32
        %mul3A_133 = arith.muli %add3A_131, %mul3A_132 : i32
        %get3A_134 = arith.index_cast %mul3A_133 : i32 to index
        %get3A_135 = tpu.vector_load %arg8[%get3A_134] {strides = array<i32>} : memref<5120xi32, #tpu.memory_space<vmem>>, vector<16xi32>,
        %eq3A_136 = arith.constant 1 : i32
        %eq3A_137 = vector.broadcast %eq3A_136 : i32 to vector<16xi32>
        %eq3A_138 = arith.cmpi eq, %get3A_135, %eq3A_137 : vector<16xi32>
        %get3A_139 = arith.constant 0 : i32
        %get3A_140 = arith.index_cast %get3A_139 : i32 to index
        %get3A_141 = arith.index_cast %mul3A_133 : i32 to index
        %get3A_142 = tpu.vector_load %arg6[%get3A_140, %get3A_141] {strides = array<i32>} : memref<2x5120xi32, #tpu.memory_space<vmem>>, vector<16xi32>,
        tpu.vector_store_idx %arg9[%get3A_142], %broadcast_in_dim3A_14 masked %eq3A_138 : memref<10000xi32, #tpu.memory_space<vmem>>[vector<16xi32>], vector<16xi32>, vector<16xi1>
        %get3A_143 = arith.constant 1 : i32
        %get3A_144 = arith.index_cast %get3A_143 : i32 to index
        %get3A_145 = arith.index_cast %mul3A_133 : i32 to index
        %get3A_146 = tpu.vector_load %arg6[%get3A_144, %get3A_145] {strides = array<i32>} : memref<2x5120xi32, #tpu.memory_space<vmem>>, vector<16xi32>,
        tpu.vector_store_idx %arg9[%get3A_146], %broadcast_in_dim3A_14 masked %eq3A_138 : memref<10000xi32, #tpu.memory_space<vmem>>[vector<16xi32>], vector<16xi32>, vector<16xi1>
        %mul3A_147 = arith.constant 8 : i32
        %mul3A_148 = arith.muli %scan3A_72, %mul3A_147 : i32
        %add3A_149 = arith.constant 4 : i32
        %add3A_150 = arith.addi %mul3A_148, %add3A_149 : i32
        %mul3A_151 = arith.constant 16 : i32
        %mul3A_152 = arith.muli %add3A_150, %mul3A_151 : i32
        %get3A_153 = arith.index_cast %mul3A_152 : i32 to index
        %get3A_154 = tpu.vector_load %arg8[%get3A_153] {strides = array<i32>} : memref<5120xi32, #tpu.memory_space<vmem>>, vector<16xi32>,
        %eq3A_155 = arith.constant 1 : i32
        %eq3A_156 = vector.broadcast %eq3A_155 : i32 to vector<16xi32>
        %eq3A_157 = arith.cmpi eq, %get3A_154, %eq3A_156 : vector<16xi32>
        %get3A_158 = arith.constant 0 : i32
        %get3A_159 = arith.index_cast %get3A_158 : i32 to index
        %get3A_160 = arith.index_cast %mul3A_152 : i32 to index
        %get3A_161 = tpu.vector_load %arg6[%get3A_159, %get3A_160] {strides = array<i32>} : memref<2x5120xi32, #tpu.memory_space<vmem>>, vector<16xi32>,
        tpu.vector_store_idx %arg9[%get3A_161], %broadcast_in_dim3A_14 masked %eq3A_157 : memref<10000xi32, #tpu.memory_space<vmem>>[vector<16xi32>], vector<16xi32>, vector<16xi1>
        %get3A_162 = arith.constant 1 : i32
        %get3A_163 = arith.index_cast %get3A_162 : i32 to index
        %get3A_164 = arith.index_cast %mul3A_152 : i32 to index
        %get3A_165 = tpu.vector_load %arg6[%get3A_163, %get3A_164] {strides = array<i32>} : memref<2x5120xi32, #tpu.memory_space<vmem>>, vector<16xi32>,
        tpu.vector_store_idx %arg9[%get3A_165], %broadcast_in_dim3A_14 masked %eq3A_157 : memref<10000xi32, #tpu.memory_space<vmem>>[vector<16xi32>], vector<16xi32>, vector<16xi1>
        %mul3A_166 = arith.constant 8 : i32
        %mul3A_167 = arith.muli %scan3A_72, %mul3A_166 : i32
        %add3A_168 = arith.constant 5 : i32
        %add3A_169 = arith.addi %mul3A_167, %add3A_168 : i32
        %mul3A_170 = arith.constant 16 : i32
        %mul3A_171 = arith.muli %add3A_169, %mul3A_170 : i32
        %get3A_172 = arith.index_cast %mul3A_171 : i32 to index
        %get3A_173 = tpu.vector_load %arg8[%get3A_172] {strides = array<i32>} : memref<5120xi32, #tpu.memory_space<vmem>>, vector<16xi32>,
        %eq3A_174 = arith.constant 1 : i32
        %eq3A_175 = vector.broadcast %eq3A_174 : i32 to vector<16xi32>
        %eq3A_176 = arith.cmpi eq, %get3A_173, %eq3A_175 : vector<16xi32>
        %get3A_177 = arith.constant 0 : i32
        %get3A_178 = arith.index_cast %get3A_177 : i32 to index
        %get3A_179 = arith.index_cast %mul3A_171 : i32 to index
        %get3A_180 = tpu.vector_load %arg6[%get3A_178, %get3A_179] {strides = array<i32>} : memref<2x5120xi32, #tpu.memory_space<vmem>>, vector<16xi32>,
        tpu.vector_store_idx %arg9[%get3A_180], %broadcast_in_dim3A_14 masked %eq3A_176 : memref<10000xi32, #tpu.memory_space<vmem>>[vector<16xi32>], vector<16xi32>, vector<16xi1>
        %get3A_181 = arith.constant 1 : i32
        %get3A_182 = arith.index_cast %get3A_181 : i32 to index
        %get3A_183 = arith.index_cast %mul3A_171 : i32 to index
        %get3A_184 = tpu.vector_load %arg6[%get3A_182, %get3A_183] {strides = array<i32>} : memref<2x5120xi32, #tpu.memory_space<vmem>>, vector<16xi32>,
        tpu.vector_store_idx %arg9[%get3A_184], %broadcast_in_dim3A_14 masked %eq3A_176 : memref<10000xi32, #tpu.memory_space<vmem>>[vector<16xi32>], vector<16xi32>, vector<16xi1>
        %mul3A_185 = arith.constant 8 : i32
        %mul3A_186 = arith.muli %scan3A_72, %mul3A_185 : i32
        %add3A_187 = arith.constant 6 : i32
        %add3A_188 = arith.addi %mul3A_186, %add3A_187 : i32
        %mul3A_189 = arith.constant 16 : i32
        %mul3A_190 = arith.muli %add3A_188, %mul3A_189 : i32
        %get3A_191 = arith.index_cast %mul3A_190 : i32 to index
        %get3A_192 = tpu.vector_load %arg8[%get3A_191] {strides = array<i32>} : memref<5120xi32, #tpu.memory_space<vmem>>, vector<16xi32>,
        %eq3A_193 = arith.constant 1 : i32
        %eq3A_194 = vector.broadcast %eq3A_193 : i32 to vector<16xi32>
        %eq3A_195 = arith.cmpi eq, %get3A_192, %eq3A_194 : vector<16xi32>
        %get3A_196 = arith.constant 0 : i32
        %get3A_197 = arith.index_cast %get3A_196 : i32 to index
        %get3A_198 = arith.index_cast %mul3A_190 : i32 to index
        %get3A_199 = tpu.vector_load %arg6[%get3A_197, %get3A_198] {strides = array<i32>} : memref<2x5120xi32, #tpu.memory_space<vmem>>, vector<16xi32>,
        tpu.vector_store_idx %arg9[%get3A_199], %broadcast_in_dim3A_14 masked %eq3A_195 : memref<10000xi32, #tpu.memory_space<vmem>>[vector<16xi32>], vector<16xi32>, vector<16xi1>
        %get3A_200 = arith.constant 1 : i32
        %get3A_201 = arith.index_cast %get3A_200 : i32 to index
        %get3A_202 = arith.index_cast %mul3A_190 : i32 to index
        %get3A_203 = tpu.vector_load %arg6[%get3A_201, %get3A_202] {strides = array<i32>} : memref<2x5120xi32, #tpu.memory_space<vmem>>, vector<16xi32>,
        tpu.vector_store_idx %arg9[%get3A_203], %broadcast_in_dim3A_14 masked %eq3A_195 : memref<10000xi32, #tpu.memory_space<vmem>>[vector<16xi32>], vector<16xi32>, vector<16xi1>
        %mul3A_204 = arith.constant 8 : i32
        %mul3A_205 = arith.muli %scan3A_72, %mul3A_204 : i32
        %add3A_206 = arith.constant 7 : i32
        %add3A_207 = arith.addi %mul3A_205, %add3A_206 : i32
        %mul3A_208 = arith.constant 16 : i32
        %mul3A_209 = arith.muli %add3A_207, %mul3A_208 : i32
        %get3A_210 = arith.index_cast %mul3A_209 : i32 to index
        %get3A_211 = tpu.vector_load %arg8[%get3A_210] {strides = array<i32>} : memref<5120xi32, #tpu.memory_space<vmem>>, vector<16xi32>,
        %eq3A_212 = arith.constant 1 : i32
        %eq3A_213 = vector.broadcast %eq3A_212 : i32 to vector<16xi32>
        %eq3A_214 = arith.cmpi eq, %get3A_211, %eq3A_213 : vector<16xi32>
        %get3A_215 = arith.constant 0 : i32
        %get3A_216 = arith.index_cast %get3A_215 : i32 to index
        %get3A_217 = arith.index_cast %mul3A_209 : i32 to index
        %get3A_218 = tpu.vector_load %arg6[%get3A_216, %get3A_217] {strides = array<i32>} : memref<2x5120xi32, #tpu.memory_space<vmem>>, vector<16xi32>,
        tpu.vector_store_idx %arg9[%get3A_218], %broadcast_in_dim3A_14 masked %eq3A_214 : memref<10000xi32, #tpu.memory_space<vmem>>[vector<16xi32>], vector<16xi32>, vector<16xi1>
        %get3A_219 = arith.constant 1 : i32
        %get3A_220 = arith.index_cast %get3A_219 : i32 to index
        %get3A_221 = arith.index_cast %mul3A_209 : i32 to index
        %get3A_222 = tpu.vector_load %arg6[%get3A_220, %get3A_221] {strides = array<i32>} : memref<2x5120xi32, #tpu.memory_space<vmem>>, vector<16xi32>,
        tpu.vector_store_idx %arg9[%get3A_222], %broadcast_in_dim3A_14 masked %eq3A_214 : memref<10000xi32, #tpu.memory_space<vmem>>[vector<16xi32>], vector<16xi32>, vector<16xi1>
      }
      %scan3A_71 = arith.constant 40 : i32
    } else {
    }
    %ge3A = arith.constant 2 : i32
    %ge3A_17 = arith.cmpi sge, %add3A, %ge3A : i32
    %convert_element_type3A_18 = arith.extui %ge3A_17 : i1 to i32
    %cond3A_19 = arith.constant 0 : i32
    %cond3A_20 = arith.cmpi ne, %convert_element_type3A_18, %cond3A_19 : i32
    scf.if %cond3A_20 {
      "tpu.region"() ({
        %run_scoped3A = tpu.sem_alloc : memref<!tpu.dma_semaphore, #tpu.memory_space<semaphore_mem>>
        %dma_start3A = arith.constant 0 : i32
        %dma_start3A_72 = tpu.memref_slice %arg2[%dma_start3A, %mul3A_6] : memref<2x160000xi32, #tpu.memory_space<hbm>> -> memref<2x4992xi32, #tpu.memory_space<hbm>>
        %dma_start3A_73 = arith.constant 0 : i32
        %dma_start3A_74 = tpu.memref_slice %arg2[%dma_start3A_73, %mul3A_6] : memref<2x160000xi32, #tpu.memory_space<hbm>> -> memref<2x4992xi32, #tpu.memory_space<hbm>>
        tpu.enqueue_dma source(%dma_start3A_74 : memref<2x4992xi32, #tpu.memory_space<hbm>>) target(%arg7 : memref<2x4992xi32, #tpu.memory_space<vmem>>) target_semaphore(%run_scoped3A : memref<!tpu.dma_semaphore, #tpu.memory_space<semaphore_mem>>)
        %dma_wait3A = arith.constant 0 : i32
        %dma_wait3A_75 = tpu.memref_slice %arg2[%dma_wait3A, %mul3A_6] : memref<2x160000xi32, #tpu.memory_space<hbm>> -> memref<2x4992xi32, #tpu.memory_space<hbm>>
        %dma_wait3A_76 = arith.constant 0 : i32
        %dma_wait3A_77 = tpu.memref_slice %arg2[%dma_wait3A_76, %mul3A_6] : memref<2x160000xi32, #tpu.memory_space<hbm>> -> memref<2x4992xi32, #tpu.memory_space<hbm>>
        tpu.wait_dma2 semaphore(%run_scoped3A : memref<!tpu.dma_semaphore, #tpu.memory_space<semaphore_mem>>) src(%dma_wait3A_77 : memref<2x4992xi32, #tpu.memory_space<hbm>>) dst(%arg7 : memref<2x4992xi32, #tpu.memory_space<vmem>>)
        tpu.yield
      }) : () -> ()
      "tpu.region"() ({
        %run_scoped3A = tpu.sem_alloc : memref<!tpu.dma_semaphore, #tpu.memory_space<semaphore_mem>>
        %dma_start3A = arith.constant 0 : i32
        %dma_start3A_72 = tpu.memref_slice %arg8[%dma_start3A] : memref<5120xi32, #tpu.memory_space<vmem>> -> memref<4992xi32, #tpu.memory_space<vmem>>
        %dma_start3A_73 = tpu.memref_slice %arg3[%mul3A_6] : memref<160000xi32, #tpu.memory_space<hbm>> -> memref<4992xi32, #tpu.memory_space<hbm>>
        %dma_start3A_74 = arith.constant 0 : i32
        %dma_start3A_75 = tpu.memref_slice %arg8[%dma_start3A_74] : memref<5120xi32, #tpu.memory_space<vmem>> -> memref<4992xi32, #tpu.memory_space<vmem>>
        %dma_start3A_76 = tpu.memref_slice %arg3[%mul3A_6] : memref<160000xi32, #tpu.memory_space<hbm>> -> memref<4992xi32, #tpu.memory_space<hbm>>
        tpu.enqueue_dma source(%dma_start3A_76 : memref<4992xi32, #tpu.memory_space<hbm>>) target(%dma_start3A_75 : memref<4992xi32, #tpu.memory_space<vmem>>) target_semaphore(%run_scoped3A : memref<!tpu.dma_semaphore, #tpu.memory_space<semaphore_mem>>)
        %dma_wait3A = arith.constant 0 : i32
        %dma_wait3A_77 = tpu.memref_slice %arg8[%dma_wait3A] : memref<5120xi32, #tpu.memory_space<vmem>> -> memref<4992xi32, #tpu.memory_space<vmem>>
        %dma_wait3A_78 = tpu.memref_slice %arg3[%mul3A_6] : memref<160000xi32, #tpu.memory_space<hbm>> -> memref<4992xi32, #tpu.memory_space<hbm>>
        %dma_wait3A_79 = arith.constant 0 : i32
        %dma_wait3A_80 = tpu.memref_slice %arg8[%dma_wait3A_79] : memref<5120xi32, #tpu.memory_space<vmem>> -> memref<4992xi32, #tpu.memory_space<vmem>>
        %dma_wait3A_81 = tpu.memref_slice %arg3[%mul3A_6] : memref<160000xi32, #tpu.memory_space<hbm>> -> memref<4992xi32, #tpu.memory_space<hbm>>
        tpu.wait_dma2 semaphore(%run_scoped3A : memref<!tpu.dma_semaphore, #tpu.memory_space<semaphore_mem>>) src(%dma_wait3A_81 : memref<4992xi32, #tpu.memory_space<hbm>>) dst(%dma_wait3A_80 : memref<4992xi32, #tpu.memory_space<vmem>>)
        tpu.yield
      }) : () -> ()
      %scan3A_66 = arith.constant 0 : i32
      %scan3A_67 = arith.constant 0 : i32
      %scan3A_68 = arith.constant 39 : i32
      %scan3A_69 = arith.addi %scan3A_67, %scan3A_68 : i32
      %scan3A_70 = arith.constant 1 : i32
      scf.for %scan3A_72 = %scan3A_67 to %scan3A_69 step %scan3A_70  : i32 {
        %mul3A_73 = arith.constant 8 : i32
        %mul3A_74 = arith.muli %scan3A_72, %mul3A_73 : i32
        %add3A_75 = arith.constant 0 : i32
        %add3A_76 = arith.addi %mul3A_74, %add3A_75 : i32
        %mul3A_77 = arith.constant 16 : i32
        %mul3A_78 = arith.muli %add3A_76, %mul3A_77 : i32
        %get3A = arith.index_cast %mul3A_78 : i32 to index
        %get3A_79 = tpu.vector_load %arg8[%get3A] {strides = array<i32>} : memref<5120xi32, #tpu.memory_space<vmem>>, vector<16xi32>,
        %eq3A = arith.constant 1 : i32
        %eq3A_80 = vector.broadcast %eq3A : i32 to vector<16xi32>
        %eq3A_81 = arith.cmpi eq, %get3A_79, %eq3A_80 : vector<16xi32>
        %get3A_82 = arith.constant 0 : i32
        %get3A_83 = arith.index_cast %get3A_82 : i32 to index
        %get3A_84 = arith.index_cast %mul3A_78 : i32 to index
        %get3A_85 = tpu.vector_load %arg7[%get3A_83, %get3A_84] {strides = array<i32>} : memref<2x4992xi32, #tpu.memory_space<vmem>>, vector<16xi32>,
        tpu.vector_store_idx %arg9[%get3A_85], %broadcast_in_dim3A_14 masked %eq3A_81 : memref<10000xi32, #tpu.memory_space<vmem>>[vector<16xi32>], vector<16xi32>, vector<16xi1>
        %get3A_86 = arith.constant 1 : i32
        %get3A_87 = arith.index_cast %get3A_86 : i32 to index
        %get3A_88 = arith.index_cast %mul3A_78 : i32 to index
        %get3A_89 = tpu.vector_load %arg7[%get3A_87, %get3A_88] {strides = array<i32>} : memref<2x4992xi32, #tpu.memory_space<vmem>>, vector<16xi32>,
        tpu.vector_store_idx %arg9[%get3A_89], %broadcast_in_dim3A_14 masked %eq3A_81 : memref<10000xi32, #tpu.memory_space<vmem>>[vector<16xi32>], vector<16xi32>, vector<16xi1>
        %mul3A_90 = arith.constant 8 : i32
        %mul3A_91 = arith.muli %scan3A_72, %mul3A_90 : i32
        %add3A_92 = arith.constant 1 : i32
        %add3A_93 = arith.addi %mul3A_91, %add3A_92 : i32
        %mul3A_94 = arith.constant 16 : i32
        %mul3A_95 = arith.muli %add3A_93, %mul3A_94 : i32
        %get3A_96 = arith.index_cast %mul3A_95 : i32 to index
        %get3A_97 = tpu.vector_load %arg8[%get3A_96] {strides = array<i32>} : memref<5120xi32, #tpu.memory_space<vmem>>, vector<16xi32>,
        %eq3A_98 = arith.constant 1 : i32
        %eq3A_99 = vector.broadcast %eq3A_98 : i32 to vector<16xi32>
        %eq3A_100 = arith.cmpi eq, %get3A_97, %eq3A_99 : vector<16xi32>
        %get3A_101 = arith.constant 0 : i32
        %get3A_102 = arith.index_cast %get3A_101 : i32 to index
        %get3A_103 = arith.index_cast %mul3A_95 : i32 to index
        %get3A_104 = tpu.vector_load %arg7[%get3A_102, %get3A_103] {strides = array<i32>} : memref<2x4992xi32, #tpu.memory_space<vmem>>, vector<16xi32>,
        tpu.vector_store_idx %arg9[%get3A_104], %broadcast_in_dim3A_14 masked %eq3A_100 : memref<10000xi32, #tpu.memory_space<vmem>>[vector<16xi32>], vector<16xi32>, vector<16xi1>
        %get3A_105 = arith.constant 1 : i32
        %get3A_106 = arith.index_cast %get3A_105 : i32 to index
        %get3A_107 = arith.index_cast %mul3A_95 : i32 to index
        %get3A_108 = tpu.vector_load %arg7[%get3A_106, %get3A_107] {strides = array<i32>} : memref<2x4992xi32, #tpu.memory_space<vmem>>, vector<16xi32>,
        tpu.vector_store_idx %arg9[%get3A_108], %broadcast_in_dim3A_14 masked %eq3A_100 : memref<10000xi32, #tpu.memory_space<vmem>>[vector<16xi32>], vector<16xi32>, vector<16xi1>
        %mul3A_109 = arith.constant 8 : i32
        %mul3A_110 = arith.muli %scan3A_72, %mul3A_109 : i32
        %add3A_111 = arith.constant 2 : i32
        %add3A_112 = arith.addi %mul3A_110, %add3A_111 : i32
        %mul3A_113 = arith.constant 16 : i32
        %mul3A_114 = arith.muli %add3A_112, %mul3A_113 : i32
        %get3A_115 = arith.index_cast %mul3A_114 : i32 to index
        %get3A_116 = tpu.vector_load %arg8[%get3A_115] {strides = array<i32>} : memref<5120xi32, #tpu.memory_space<vmem>>, vector<16xi32>,
        %eq3A_117 = arith.constant 1 : i32
        %eq3A_118 = vector.broadcast %eq3A_117 : i32 to vector<16xi32>
        %eq3A_119 = arith.cmpi eq, %get3A_116, %eq3A_118 : vector<16xi32>
        %get3A_120 = arith.constant 0 : i32
        %get3A_121 = arith.index_cast %get3A_120 : i32 to index
        %get3A_122 = arith.index_cast %mul3A_114 : i32 to index
        %get3A_123 = tpu.vector_load %arg7[%get3A_121, %get3A_122] {strides = array<i32>} : memref<2x4992xi32, #tpu.memory_space<vmem>>, vector<16xi32>,
        tpu.vector_store_idx %arg9[%get3A_123], %broadcast_in_dim3A_14 masked %eq3A_119 : memref<10000xi32, #tpu.memory_space<vmem>>[vector<16xi32>], vector<16xi32>, vector<16xi1>
        %get3A_124 = arith.constant 1 : i32
        %get3A_125 = arith.index_cast %get3A_124 : i32 to index
        %get3A_126 = arith.index_cast %mul3A_114 : i32 to index
        %get3A_127 = tpu.vector_load %arg7[%get3A_125, %get3A_126] {strides = array<i32>} : memref<2x4992xi32, #tpu.memory_space<vmem>>, vector<16xi32>,
        tpu.vector_store_idx %arg9[%get3A_127], %broadcast_in_dim3A_14 masked %eq3A_119 : memref<10000xi32, #tpu.memory_space<vmem>>[vector<16xi32>], vector<16xi32>, vector<16xi1>
        %mul3A_128 = arith.constant 8 : i32
        %mul3A_129 = arith.muli %scan3A_72, %mul3A_128 : i32
        %add3A_130 = arith.constant 3 : i32
        %add3A_131 = arith.addi %mul3A_129, %add3A_130 : i32
        %mul3A_132 = arith.constant 16 : i32
        %mul3A_133 = arith.muli %add3A_131, %mul3A_132 : i32
        %get3A_134 = arith.index_cast %mul3A_133 : i32 to index
        %get3A_135 = tpu.vector_load %arg8[%get3A_134] {strides = array<i32>} : memref<5120xi32, #tpu.memory_space<vmem>>, vector<16xi32>,
        %eq3A_136 = arith.constant 1 : i32
        %eq3A_137 = vector.broadcast %eq3A_136 : i32 to vector<16xi32>
        %eq3A_138 = arith.cmpi eq, %get3A_135, %eq3A_137 : vector<16xi32>
        %get3A_139 = arith.constant 0 : i32
        %get3A_140 = arith.index_cast %get3A_139 : i32 to index
        %get3A_141 = arith.index_cast %mul3A_133 : i32 to index
        %get3A_142 = tpu.vector_load %arg7[%get3A_140, %get3A_141] {strides = array<i32>} : memref<2x4992xi32, #tpu.memory_space<vmem>>, vector<16xi32>,
        tpu.vector_store_idx %arg9[%get3A_142], %broadcast_in_dim3A_14 masked %eq3A_138 : memref<10000xi32, #tpu.memory_space<vmem>>[vector<16xi32>], vector<16xi32>, vector<16xi1>
        %get3A_143 = arith.constant 1 : i32
        %get3A_144 = arith.index_cast %get3A_143 : i32 to index
        %get3A_145 = arith.index_cast %mul3A_133 : i32 to index
        %get3A_146 = tpu.vector_load %arg7[%get3A_144, %get3A_145] {strides = array<i32>} : memref<2x4992xi32, #tpu.memory_space<vmem>>, vector<16xi32>,
        tpu.vector_store_idx %arg9[%get3A_146], %broadcast_in_dim3A_14 masked %eq3A_138 : memref<10000xi32, #tpu.memory_space<vmem>>[vector<16xi32>], vector<16xi32>, vector<16xi1>
        %mul3A_147 = arith.constant 8 : i32
        %mul3A_148 = arith.muli %scan3A_72, %mul3A_147 : i32
        %add3A_149 = arith.constant 4 : i32
        %add3A_150 = arith.addi %mul3A_148, %add3A_149 : i32
        %mul3A_151 = arith.constant 16 : i32
        %mul3A_152 = arith.muli %add3A_150, %mul3A_151 : i32
        %get3A_153 = arith.index_cast %mul3A_152 : i32 to index
        %get3A_154 = tpu.vector_load %arg8[%get3A_153] {strides = array<i32>} : memref<5120xi32, #tpu.memory_space<vmem>>, vector<16xi32>,
        %eq3A_155 = arith.constant 1 : i32
        %eq3A_156 = vector.broadcast %eq3A_155 : i32 to vector<16xi32>
        %eq3A_157 = arith.cmpi eq, %get3A_154, %eq3A_156 : vector<16xi32>
        %get3A_158 = arith.constant 0 : i32
        %get3A_159 = arith.index_cast %get3A_158 : i32 to index
        %get3A_160 = arith.index_cast %mul3A_152 : i32 to index
        %get3A_161 = tpu.vector_load %arg7[%get3A_159, %get3A_160] {strides = array<i32>} : memref<2x4992xi32, #tpu.memory_space<vmem>>, vector<16xi32>,
        tpu.vector_store_idx %arg9[%get3A_161], %broadcast_in_dim3A_14 masked %eq3A_157 : memref<10000xi32, #tpu.memory_space<vmem>>[vector<16xi32>], vector<16xi32>, vector<16xi1>
        %get3A_162 = arith.constant 1 : i32
        %get3A_163 = arith.index_cast %get3A_162 : i32 to index
        %get3A_164 = arith.index_cast %mul3A_152 : i32 to index
        %get3A_165 = tpu.vector_load %arg7[%get3A_163, %get3A_164] {strides = array<i32>} : memref<2x4992xi32, #tpu.memory_space<vmem>>, vector<16xi32>,
        tpu.vector_store_idx %arg9[%get3A_165], %broadcast_in_dim3A_14 masked %eq3A_157 : memref<10000xi32, #tpu.memory_space<vmem>>[vector<16xi32>], vector<16xi32>, vector<16xi1>
        %mul3A_166 = arith.constant 8 : i32
        %mul3A_167 = arith.muli %scan3A_72, %mul3A_166 : i32
        %add3A_168 = arith.constant 5 : i32
        %add3A_169 = arith.addi %mul3A_167, %add3A_168 : i32
        %mul3A_170 = arith.constant 16 : i32
        %mul3A_171 = arith.muli %add3A_169, %mul3A_170 : i32
        %get3A_172 = arith.index_cast %mul3A_171 : i32 to index
        %get3A_173 = tpu.vector_load %arg8[%get3A_172] {strides = array<i32>} : memref<5120xi32, #tpu.memory_space<vmem>>, vector<16xi32>,
        %eq3A_174 = arith.constant 1 : i32
        %eq3A_175 = vector.broadcast %eq3A_174 : i32 to vector<16xi32>
        %eq3A_176 = arith.cmpi eq, %get3A_173, %eq3A_175 : vector<16xi32>
        %get3A_177 = arith.constant 0 : i32
        %get3A_178 = arith.index_cast %get3A_177 : i32 to index
        %get3A_179 = arith.index_cast %mul3A_171 : i32 to index
        %get3A_180 = tpu.vector_load %arg7[%get3A_178, %get3A_179] {strides = array<i32>} : memref<2x4992xi32, #tpu.memory_space<vmem>>, vector<16xi32>,
        tpu.vector_store_idx %arg9[%get3A_180], %broadcast_in_dim3A_14 masked %eq3A_176 : memref<10000xi32, #tpu.memory_space<vmem>>[vector<16xi32>], vector<16xi32>, vector<16xi1>
        %get3A_181 = arith.constant 1 : i32
        %get3A_182 = arith.index_cast %get3A_181 : i32 to index
        %get3A_183 = arith.index_cast %mul3A_171 : i32 to index
        %get3A_184 = tpu.vector_load %arg7[%get3A_182, %get3A_183] {strides = array<i32>} : memref<2x4992xi32, #tpu.memory_space<vmem>>, vector<16xi32>,
        tpu.vector_store_idx %arg9[%get3A_184], %broadcast_in_dim3A_14 masked %eq3A_176 : memref<10000xi32, #tpu.memory_space<vmem>>[vector<16xi32>], vector<16xi32>, vector<16xi1>
        %mul3A_185 = arith.constant 8 : i32
        %mul3A_186 = arith.muli %scan3A_72, %mul3A_185 : i32
        %add3A_187 = arith.constant 6 : i32
        %add3A_188 = arith.addi %mul3A_186, %add3A_187 : i32
        %mul3A_189 = arith.constant 16 : i32
        %mul3A_190 = arith.muli %add3A_188, %mul3A_189 : i32
        %get3A_191 = arith.index_cast %mul3A_190 : i32 to index
        %get3A_192 = tpu.vector_load %arg8[%get3A_191] {strides = array<i32>} : memref<5120xi32, #tpu.memory_space<vmem>>, vector<16xi32>,
        %eq3A_193 = arith.constant 1 : i32
        %eq3A_194 = vector.broadcast %eq3A_193 : i32 to vector<16xi32>
        %eq3A_195 = arith.cmpi eq, %get3A_192, %eq3A_194 : vector<16xi32>
        %get3A_196 = arith.constant 0 : i32
        %get3A_197 = arith.index_cast %get3A_196 : i32 to index
        %get3A_198 = arith.index_cast %mul3A_190 : i32 to index
        %get3A_199 = tpu.vector_load %arg7[%get3A_197, %get3A_198] {strides = array<i32>} : memref<2x4992xi32, #tpu.memory_space<vmem>>, vector<16xi32>,
        tpu.vector_store_idx %arg9[%get3A_199], %broadcast_in_dim3A_14 masked %eq3A_195 : memref<10000xi32, #tpu.memory_space<vmem>>[vector<16xi32>], vector<16xi32>, vector<16xi1>
        %get3A_200 = arith.constant 1 : i32
        %get3A_201 = arith.index_cast %get3A_200 : i32 to index
        %get3A_202 = arith.index_cast %mul3A_190 : i32 to index
        %get3A_203 = tpu.vector_load %arg7[%get3A_201, %get3A_202] {strides = array<i32>} : memref<2x4992xi32, #tpu.memory_space<vmem>>, vector<16xi32>,
        tpu.vector_store_idx %arg9[%get3A_203], %broadcast_in_dim3A_14 masked %eq3A_195 : memref<10000xi32, #tpu.memory_space<vmem>>[vector<16xi32>], vector<16xi32>, vector<16xi1>
        %mul3A_204 = arith.constant 8 : i32
        %mul3A_205 = arith.muli %scan3A_72, %mul3A_204 : i32
        %add3A_206 = arith.constant 7 : i32
        %add3A_207 = arith.addi %mul3A_205, %add3A_206 : i32
        %mul3A_208 = arith.constant 16 : i32
        %mul3A_209 = arith.muli %add3A_207, %mul3A_208 : i32
        %get3A_210 = arith.index_cast %mul3A_209 : i32 to index
        %get3A_211 = tpu.vector_load %arg8[%get3A_210] {strides = array<i32>} : memref<5120xi32, #tpu.memory_space<vmem>>, vector<16xi32>,
        %eq3A_212 = arith.constant 1 : i32
        %eq3A_213 = vector.broadcast %eq3A_212 : i32 to vector<16xi32>
        %eq3A_214 = arith.cmpi eq, %get3A_211, %eq3A_213 : vector<16xi32>
        %get3A_215 = arith.constant 0 : i32
        %get3A_216 = arith.index_cast %get3A_215 : i32 to index
        %get3A_217 = arith.index_cast %mul3A_209 : i32 to index
        %get3A_218 = tpu.vector_load %arg7[%get3A_216, %get3A_217] {strides = array<i32>} : memref<2x4992xi32, #tpu.memory_space<vmem>>, vector<16xi32>,
        tpu.vector_store_idx %arg9[%get3A_218], %broadcast_in_dim3A_14 masked %eq3A_214 : memref<10000xi32, #tpu.memory_space<vmem>>[vector<16xi32>], vector<16xi32>, vector<16xi1>
        %get3A_219 = arith.constant 1 : i32
        %get3A_220 = arith.index_cast %get3A_219 : i32 to index
        %get3A_221 = arith.index_cast %mul3A_209 : i32 to index
        %get3A_222 = tpu.vector_load %arg7[%get3A_220, %get3A_221] {strides = array<i32>} : memref<2x4992xi32, #tpu.memory_space<vmem>>, vector<16xi32>,
        tpu.vector_store_idx %arg9[%get3A_222], %broadcast_in_dim3A_14 masked %eq3A_214 : memref<10000xi32, #tpu.memory_space<vmem>>[vector<16xi32>], vector<16xi32>, vector<16xi1>
      }
      %scan3A_71 = arith.constant 39 : i32
    } else {
    }
    %mul3A_21 = arith.constant 1000 : i32
    %mul3A_22 = arith.muli %add3A, %mul3A_21 : i32
    %add3A_23 = arith.constant 0 : i32
    %add3A_24 = arith.addi %add3A_23, %mul3A_22 : i32
    "tpu.region"() ({
      %run_scoped3A = tpu.sem_alloc : memref<!tpu.dma_semaphore, #tpu.memory_space<semaphore_mem>>
      %dma_start3A = arith.constant 0 : i32
      %dma_start3A_66 = tpu.memref_slice %arg9[%dma_start3A] : memref<10000xi32, #tpu.memory_space<vmem>> -> memref<1000xi32, #tpu.memory_space<vmem>>
      %dma_start3A_67 = tpu.memref_slice %arg5[%add3A_24] : memref<330000xi32, #tpu.memory_space<hbm>> -> memref<1000xi32, #tpu.memory_space<hbm>>
      %dma_start3A_68 = tpu.memref_slice %arg5[%add3A_24] : memref<330000xi32, #tpu.memory_space<hbm>> -> memref<1000xi32, #tpu.memory_space<hbm>>
      %dma_start3A_69 = arith.constant 0 : i32
      %dma_start3A_70 = tpu.memref_slice %arg9[%dma_start3A_69] : memref<10000xi32, #tpu.memory_space<vmem>> -> memref<1000xi32, #tpu.memory_space<vmem>>
      tpu.enqueue_dma source(%dma_start3A_70 : memref<1000xi32, #tpu.memory_space<vmem>>) target(%dma_start3A_68 : memref<1000xi32, #tpu.memory_space<hbm>>) target_semaphore(%run_scoped3A : memref<!tpu.dma_semaphore, #tpu.memory_space<semaphore_mem>>)
      %dma_wait3A = arith.constant 0 : i32
      %dma_wait3A_71 = tpu.memref_slice %arg9[%dma_wait3A] : memref<10000xi32, #tpu.memory_space<vmem>> -> memref<1000xi32, #tpu.memory_space<vmem>>
      %dma_wait3A_72 = tpu.memref_slice %arg5[%add3A_24] : memref<330000xi32, #tpu.memory_space<hbm>> -> memref<1000xi32, #tpu.memory_space<hbm>>
      %dma_wait3A_73 = tpu.memref_slice %arg5[%add3A_24] : memref<330000xi32, #tpu.memory_space<hbm>> -> memref<1000xi32, #tpu.memory_space<hbm>>
      %dma_wait3A_74 = arith.constant 0 : i32
      %dma_wait3A_75 = tpu.memref_slice %arg9[%dma_wait3A_74] : memref<10000xi32, #tpu.memory_space<vmem>> -> memref<1000xi32, #tpu.memory_space<vmem>>
      tpu.wait_dma2 semaphore(%run_scoped3A : memref<!tpu.dma_semaphore, #tpu.memory_space<semaphore_mem>>) src(%dma_wait3A_75 : memref<1000xi32, #tpu.memory_space<vmem>>) dst(%dma_wait3A_73 : memref<1000xi32, #tpu.memory_space<hbm>>)
      tpu.yield
    }) : () -> ()
    %mul3A_25 = arith.constant 1000 : i32
    %mul3A_26 = arith.muli %add3A, %mul3A_25 : i32
    %add3A_27 = arith.constant 33000 : i32
    %add3A_28 = arith.addi %add3A_27, %mul3A_26 : i32
    "tpu.region"() ({
      %run_scoped3A = tpu.sem_alloc : memref<!tpu.dma_semaphore, #tpu.memory_space<semaphore_mem>>
      %dma_start3A = arith.constant 1000 : i32
      %dma_start3A_66 = tpu.memref_slice %arg9[%dma_start3A] : memref<10000xi32, #tpu.memory_space<vmem>> -> memref<1000xi32, #tpu.memory_space<vmem>>
      %dma_start3A_67 = tpu.memref_slice %arg5[%add3A_28] : memref<330000xi32, #tpu.memory_space<hbm>> -> memref<1000xi32, #tpu.memory_space<hbm>>
      %dma_start3A_68 = tpu.memref_slice %arg5[%add3A_28] : memref<330000xi32, #tpu.memory_space<hbm>> -> memref<1000xi32, #tpu.memory_space<hbm>>
      %dma_start3A_69 = arith.constant 1000 : i32
      %dma_start3A_70 = tpu.memref_slice %arg9[%dma_start3A_69] : memref<10000xi32, #tpu.memory_space<vmem>> -> memref<1000xi32, #tpu.memory_space<vmem>>
      tpu.enqueue_dma source(%dma_start3A_70 : memref<1000xi32, #tpu.memory_space<vmem>>) target(%dma_start3A_68 : memref<1000xi32, #tpu.memory_space<hbm>>) target_semaphore(%run_scoped3A : memref<!tpu.dma_semaphore, #tpu.memory_space<semaphore_mem>>)
      %dma_wait3A = arith.constant 1000 : i32
      %dma_wait3A_71 = tpu.memref_slice %arg9[%dma_wait3A] : memref<10000xi32, #tpu.memory_space<vmem>> -> memref<1000xi32, #tpu.memory_space<vmem>>
      %dma_wait3A_72 = tpu.memref_slice %arg5[%add3A_28] : memref<330000xi32, #tpu.memory_space<hbm>> -> memref<1000xi32, #tpu.memory_space<hbm>>
      %dma_wait3A_73 = tpu.memref_slice %arg5[%add3A_28] : memref<330000xi32, #tpu.memory_space<hbm>> -> memref<1000xi32, #tpu.memory_space<hbm>>
      %dma_wait3A_74 = arith.constant 1000 : i32
      %dma_wait3A_75 = tpu.memref_slice %arg9[%dma_wait3A_74] : memref<10000xi32, #tpu.memory_space<vmem>> -> memref<1000xi32, #tpu.memory_space<vmem>>
      tpu.wait_dma2 semaphore(%run_scoped3A : memref<!tpu.dma_semaphore, #tpu.memory_space<semaphore_mem>>) src(%dma_wait3A_75 : memref<1000xi32, #tpu.memory_space<vmem>>) dst(%dma_wait3A_73 : memref<1000xi32, #tpu.memory_space<hbm>>)
      tpu.yield
    }) : () -> ()
    %mul3A_29 = arith.constant 1000 : i32
    %mul3A_30 = arith.muli %add3A, %mul3A_29 : i32
    %add3A_31 = arith.constant 66000 : i32
    %add3A_32 = arith.addi %add3A_31, %mul3A_30 : i32
    "tpu.region"() ({
      %run_scoped3A = tpu.sem_alloc : memref<!tpu.dma_semaphore, #tpu.memory_space<semaphore_mem>>
      %dma_start3A = arith.constant 2000 : i32
      %dma_start3A_66 = tpu.memref_slice %arg9[%dma_start3A] : memref<10000xi32, #tpu.memory_space<vmem>> -> memref<1000xi32, #tpu.memory_space<vmem>>
      %dma_start3A_67 = tpu.memref_slice %arg5[%add3A_32] : memref<330000xi32, #tpu.memory_space<hbm>> -> memref<1000xi32, #tpu.memory_space<hbm>>
      %dma_start3A_68 = tpu.memref_slice %arg5[%add3A_32] : memref<330000xi32, #tpu.memory_space<hbm>> -> memref<1000xi32, #tpu.memory_space<hbm>>
      %dma_start3A_69 = arith.constant 2000 : i32
      %dma_start3A_70 = tpu.memref_slice %arg9[%dma_start3A_69] : memref<10000xi32, #tpu.memory_space<vmem>> -> memref<1000xi32, #tpu.memory_space<vmem>>
      tpu.enqueue_dma source(%dma_start3A_70 : memref<1000xi32, #tpu.memory_space<vmem>>) target(%dma_start3A_68 : memref<1000xi32, #tpu.memory_space<hbm>>) target_semaphore(%run_scoped3A : memref<!tpu.dma_semaphore, #tpu.memory_space<semaphore_mem>>)
      %dma_wait3A = arith.constant 2000 : i32
      %dma_wait3A_71 = tpu.memref_slice %arg9[%dma_wait3A] : memref<10000xi32, #tpu.memory_space<vmem>> -> memref<1000xi32, #tpu.memory_space<vmem>>
      %dma_wait3A_72 = tpu.memref_slice %arg5[%add3A_32] : memref<330000xi32, #tpu.memory_space<hbm>> -> memref<1000xi32, #tpu.memory_space<hbm>>
      %dma_wait3A_73 = tpu.memref_slice %arg5[%add3A_32] : memref<330000xi32, #tpu.memory_space<hbm>> -> memref<1000xi32, #tpu.memory_space<hbm>>
      %dma_wait3A_74 = arith.constant 2000 : i32
      %dma_wait3A_75 = tpu.memref_slice %arg9[%dma_wait3A_74] : memref<10000xi32, #tpu.memory_space<vmem>> -> memref<1000xi32, #tpu.memory_space<vmem>>
      tpu.wait_dma2 semaphore(%run_scoped3A : memref<!tpu.dma_semaphore, #tpu.memory_space<semaphore_mem>>) src(%dma_wait3A_75 : memref<1000xi32, #tpu.memory_space<vmem>>) dst(%dma_wait3A_73 : memref<1000xi32, #tpu.memory_space<hbm>>)
      tpu.yield
    }) : () -> ()
    %mul3A_33 = arith.constant 1000 : i32
    %mul3A_34 = arith.muli %add3A, %mul3A_33 : i32
    %add3A_35 = arith.constant 99000 : i32
    %add3A_36 = arith.addi %add3A_35, %mul3A_34 : i32
    "tpu.region"() ({
      %run_scoped3A = tpu.sem_alloc : memref<!tpu.dma_semaphore, #tpu.memory_space<semaphore_mem>>
      %dma_start3A = arith.constant 3000 : i32
      %dma_start3A_66 = tpu.memref_slice %arg9[%dma_start3A] : memref<10000xi32, #tpu.memory_space<vmem>> -> memref<1000xi32, #tpu.memory_space<vmem>>
      %dma_start3A_67 = tpu.memref_slice %arg5[%add3A_36] : memref<330000xi32, #tpu.memory_space<hbm>> -> memref<1000xi32, #tpu.memory_space<hbm>>
      %dma_start3A_68 = tpu.memref_slice %arg5[%add3A_36] : memref<330000xi32, #tpu.memory_space<hbm>> -> memref<1000xi32, #tpu.memory_space<hbm>>
      %dma_start3A_69 = arith.constant 3000 : i32
      %dma_start3A_70 = tpu.memref_slice %arg9[%dma_start3A_69] : memref<10000xi32, #tpu.memory_space<vmem>> -> memref<1000xi32, #tpu.memory_space<vmem>>
      tpu.enqueue_dma source(%dma_start3A_70 : memref<1000xi32, #tpu.memory_space<vmem>>) target(%dma_start3A_68 : memref<1000xi32, #tpu.memory_space<hbm>>) target_semaphore(%run_scoped3A : memref<!tpu.dma_semaphore, #tpu.memory_space<semaphore_mem>>)
      %dma_wait3A = arith.constant 3000 : i32
      %dma_wait3A_71 = tpu.memref_slice %arg9[%dma_wait3A] : memref<10000xi32, #tpu.memory_space<vmem>> -> memref<1000xi32, #tpu.memory_space<vmem>>
      %dma_wait3A_72 = tpu.memref_slice %arg5[%add3A_36] : memref<330000xi32, #tpu.memory_space<hbm>> -> memref<1000xi32, #tpu.memory_space<hbm>>
      %dma_wait3A_73 = tpu.memref_slice %arg5[%add3A_36] : memref<330000xi32, #tpu.memory_space<hbm>> -> memref<1000xi32, #tpu.memory_space<hbm>>
      %dma_wait3A_74 = arith.constant 3000 : i32
      %dma_wait3A_75 = tpu.memref_slice %arg9[%dma_wait3A_74] : memref<10000xi32, #tpu.memory_space<vmem>> -> memref<1000xi32, #tpu.memory_space<vmem>>
      tpu.wait_dma2 semaphore(%run_scoped3A : memref<!tpu.dma_semaphore, #tpu.memory_space<semaphore_mem>>) src(%dma_wait3A_75 : memref<1000xi32, #tpu.memory_space<vmem>>) dst(%dma_wait3A_73 : memref<1000xi32, #tpu.memory_space<hbm>>)
      tpu.yield
    }) : () -> ()
    %mul3A_37 = arith.constant 1000 : i32
    %mul3A_38 = arith.muli %add3A, %mul3A_37 : i32
    %add3A_39 = arith.constant 132000 : i32
    %add3A_40 = arith.addi %add3A_39, %mul3A_38 : i32
    "tpu.region"() ({
      %run_scoped3A = tpu.sem_alloc : memref<!tpu.dma_semaphore, #tpu.memory_space<semaphore_mem>>
      %dma_start3A = arith.constant 4000 : i32
      %dma_start3A_66 = tpu.memref_slice %arg9[%dma_start3A] : memref<10000xi32, #tpu.memory_space<vmem>> -> memref<1000xi32, #tpu.memory_space<vmem>>
      %dma_start3A_67 = tpu.memref_slice %arg5[%add3A_40] : memref<330000xi32, #tpu.memory_space<hbm>> -> memref<1000xi32, #tpu.memory_space<hbm>>
      %dma_start3A_68 = tpu.memref_slice %arg5[%add3A_40] : memref<330000xi32, #tpu.memory_space<hbm>> -> memref<1000xi32, #tpu.memory_space<hbm>>
      %dma_start3A_69 = arith.constant 4000 : i32
      %dma_start3A_70 = tpu.memref_slice %arg9[%dma_start3A_69] : memref<10000xi32, #tpu.memory_space<vmem>> -> memref<1000xi32, #tpu.memory_space<vmem>>
      tpu.enqueue_dma source(%dma_start3A_70 : memref<1000xi32, #tpu.memory_space<vmem>>) target(%dma_start3A_68 : memref<1000xi32, #tpu.memory_space<hbm>>) target_semaphore(%run_scoped3A : memref<!tpu.dma_semaphore, #tpu.memory_space<semaphore_mem>>)
      %dma_wait3A = arith.constant 4000 : i32
      %dma_wait3A_71 = tpu.memref_slice %arg9[%dma_wait3A] : memref<10000xi32, #tpu.memory_space<vmem>> -> memref<1000xi32, #tpu.memory_space<vmem>>
      %dma_wait3A_72 = tpu.memref_slice %arg5[%add3A_40] : memref<330000xi32, #tpu.memory_space<hbm>> -> memref<1000xi32, #tpu.memory_space<hbm>>
      %dma_wait3A_73 = tpu.memref_slice %arg5[%add3A_40] : memref<330000xi32, #tpu.memory_space<hbm>> -> memref<1000xi32, #tpu.memory_space<hbm>>
      %dma_wait3A_74 = arith.constant 4000 : i32
      %dma_wait3A_75 = tpu.memref_slice %arg9[%dma_wait3A_74] : memref<10000xi32, #tpu.memory_space<vmem>> -> memref<1000xi32, #tpu.memory_space<vmem>>
      tpu.wait_dma2 semaphore(%run_scoped3A : memref<!tpu.dma_semaphore, #tpu.memory_space<semaphore_mem>>) src(%dma_wait3A_75 : memref<1000xi32, #tpu.memory_space<vmem>>) dst(%dma_wait3A_73 : memref<1000xi32, #tpu.memory_space<hbm>>)
      tpu.yield
    }) : () -> ()
    %mul3A_41 = arith.constant 1000 : i32
    %mul3A_42 = arith.muli %add3A, %mul3A_41 : i32
    %add3A_43 = arith.constant 165000 : i32
    %add3A_44 = arith.addi %add3A_43, %mul3A_42 : i32
    "tpu.region"() ({
      %run_scoped3A = tpu.sem_alloc : memref<!tpu.dma_semaphore, #tpu.memory_space<semaphore_mem>>
      %dma_start3A = arith.constant 5000 : i32
      %dma_start3A_66 = tpu.memref_slice %arg9[%dma_start3A] : memref<10000xi32, #tpu.memory_space<vmem>> -> memref<1000xi32, #tpu.memory_space<vmem>>
      %dma_start3A_67 = tpu.memref_slice %arg5[%add3A_44] : memref<330000xi32, #tpu.memory_space<hbm>> -> memref<1000xi32, #tpu.memory_space<hbm>>
      %dma_start3A_68 = tpu.memref_slice %arg5[%add3A_44] : memref<330000xi32, #tpu.memory_space<hbm>> -> memref<1000xi32, #tpu.memory_space<hbm>>
      %dma_start3A_69 = arith.constant 5000 : i32
      %dma_start3A_70 = tpu.memref_slice %arg9[%dma_start3A_69] : memref<10000xi32, #tpu.memory_space<vmem>> -> memref<1000xi32, #tpu.memory_space<vmem>>
      tpu.enqueue_dma source(%dma_start3A_70 : memref<1000xi32, #tpu.memory_space<vmem>>) target(%dma_start3A_68 : memref<1000xi32, #tpu.memory_space<hbm>>) target_semaphore(%run_scoped3A : memref<!tpu.dma_semaphore, #tpu.memory_space<semaphore_mem>>)
      %dma_wait3A = arith.constant 5000 : i32
      %dma_wait3A_71 = tpu.memref_slice %arg9[%dma_wait3A] : memref<10000xi32, #tpu.memory_space<vmem>> -> memref<1000xi32, #tpu.memory_space<vmem>>
      %dma_wait3A_72 = tpu.memref_slice %arg5[%add3A_44] : memref<330000xi32, #tpu.memory_space<hbm>> -> memref<1000xi32, #tpu.memory_space<hbm>>
      %dma_wait3A_73 = tpu.memref_slice %arg5[%add3A_44] : memref<330000xi32, #tpu.memory_space<hbm>> -> memref<1000xi32, #tpu.memory_space<hbm>>
      %dma_wait3A_74 = arith.constant 5000 : i32
      %dma_wait3A_75 = tpu.memref_slice %arg9[%dma_wait3A_74] : memref<10000xi32, #tpu.memory_space<vmem>> -> memref<1000xi32, #tpu.memory_space<vmem>>
      tpu.wait_dma2 semaphore(%run_scoped3A : memref<!tpu.dma_semaphore, #tpu.memory_space<semaphore_mem>>) src(%dma_wait3A_75 : memref<1000xi32, #tpu.memory_space<vmem>>) dst(%dma_wait3A_73 : memref<1000xi32, #tpu.memory_space<hbm>>)
      tpu.yield
    }) : () -> ()
    %mul3A_45 = arith.constant 1000 : i32
    %mul3A_46 = arith.muli %add3A, %mul3A_45 : i32
    %add3A_47 = arith.constant 198000 : i32
    %add3A_48 = arith.addi %add3A_47, %mul3A_46 : i32
    "tpu.region"() ({
      %run_scoped3A = tpu.sem_alloc : memref<!tpu.dma_semaphore, #tpu.memory_space<semaphore_mem>>
      %dma_start3A = arith.constant 6000 : i32
      %dma_start3A_66 = tpu.memref_slice %arg9[%dma_start3A] : memref<10000xi32, #tpu.memory_space<vmem>> -> memref<1000xi32, #tpu.memory_space<vmem>>
      %dma_start3A_67 = tpu.memref_slice %arg5[%add3A_48] : memref<330000xi32, #tpu.memory_space<hbm>> -> memref<1000xi32, #tpu.memory_space<hbm>>
      %dma_start3A_68 = tpu.memref_slice %arg5[%add3A_48] : memref<330000xi32, #tpu.memory_space<hbm>> -> memref<1000xi32, #tpu.memory_space<hbm>>
      %dma_start3A_69 = arith.constant 6000 : i32
      %dma_start3A_70 = tpu.memref_slice %arg9[%dma_start3A_69] : memref<10000xi32, #tpu.memory_space<vmem>> -> memref<1000xi32, #tpu.memory_space<vmem>>
      tpu.enqueue_dma source(%dma_start3A_70 : memref<1000xi32, #tpu.memory_space<vmem>>) target(%dma_start3A_68 : memref<1000xi32, #tpu.memory_space<hbm>>) target_semaphore(%run_scoped3A : memref<!tpu.dma_semaphore, #tpu.memory_space<semaphore_mem>>)
      %dma_wait3A = arith.constant 6000 : i32
      %dma_wait3A_71 = tpu.memref_slice %arg9[%dma_wait3A] : memref<10000xi32, #tpu.memory_space<vmem>> -> memref<1000xi32, #tpu.memory_space<vmem>>
      %dma_wait3A_72 = tpu.memref_slice %arg5[%add3A_48] : memref<330000xi32, #tpu.memory_space<hbm>> -> memref<1000xi32, #tpu.memory_space<hbm>>
      %dma_wait3A_73 = tpu.memref_slice %arg5[%add3A_48] : memref<330000xi32, #tpu.memory_space<hbm>> -> memref<1000xi32, #tpu.memory_space<hbm>>
      %dma_wait3A_74 = arith.constant 6000 : i32
      %dma_wait3A_75 = tpu.memref_slice %arg9[%dma_wait3A_74] : memref<10000xi32, #tpu.memory_space<vmem>> -> memref<1000xi32, #tpu.memory_space<vmem>>
      tpu.wait_dma2 semaphore(%run_scoped3A : memref<!tpu.dma_semaphore, #tpu.memory_space<semaphore_mem>>) src(%dma_wait3A_75 : memref<1000xi32, #tpu.memory_space<vmem>>) dst(%dma_wait3A_73 : memref<1000xi32, #tpu.memory_space<hbm>>)
      tpu.yield
    }) : () -> ()
    %mul3A_49 = arith.constant 1000 : i32
    %mul3A_50 = arith.muli %add3A, %mul3A_49 : i32
    %add3A_51 = arith.constant 231000 : i32
    %add3A_52 = arith.addi %add3A_51, %mul3A_50 : i32
    "tpu.region"() ({
      %run_scoped3A = tpu.sem_alloc : memref<!tpu.dma_semaphore, #tpu.memory_space<semaphore_mem>>
      %dma_start3A = arith.constant 7000 : i32
      %dma_start3A_66 = tpu.memref_slice %arg9[%dma_start3A] : memref<10000xi32, #tpu.memory_space<vmem>> -> memref<1000xi32, #tpu.memory_space<vmem>>
      %dma_start3A_67 = tpu.memref_slice %arg5[%add3A_52] : memref<330000xi32, #tpu.memory_space<hbm>> -> memref<1000xi32, #tpu.memory_space<hbm>>
      %dma_start3A_68 = tpu.memref_slice %arg5[%add3A_52] : memref<330000xi32, #tpu.memory_space<hbm>> -> memref<1000xi32, #tpu.memory_space<hbm>>
      %dma_start3A_69 = arith.constant 7000 : i32
      %dma_start3A_70 = tpu.memref_slice %arg9[%dma_start3A_69] : memref<10000xi32, #tpu.memory_space<vmem>> -> memref<1000xi32, #tpu.memory_space<vmem>>
      tpu.enqueue_dma source(%dma_start3A_70 : memref<1000xi32, #tpu.memory_space<vmem>>) target(%dma_start3A_68 : memref<1000xi32, #tpu.memory_space<hbm>>) target_semaphore(%run_scoped3A : memref<!tpu.dma_semaphore, #tpu.memory_space<semaphore_mem>>)
      %dma_wait3A = arith.constant 7000 : i32
      %dma_wait3A_71 = tpu.memref_slice %arg9[%dma_wait3A] : memref<10000xi32, #tpu.memory_space<vmem>> -> memref<1000xi32, #tpu.memory_space<vmem>>
      %dma_wait3A_72 = tpu.memref_slice %arg5[%add3A_52] : memref<330000xi32, #tpu.memory_space<hbm>> -> memref<1000xi32, #tpu.memory_space<hbm>>
      %dma_wait3A_73 = tpu.memref_slice %arg5[%add3A_52] : memref<330000xi32, #tpu.memory_space<hbm>> -> memref<1000xi32, #tpu.memory_space<hbm>>
      %dma_wait3A_74 = arith.constant 7000 : i32
      %dma_wait3A_75 = tpu.memref_slice %arg9[%dma_wait3A_74] : memref<10000xi32, #tpu.memory_space<vmem>> -> memref<1000xi32, #tpu.memory_space<vmem>>
      tpu.wait_dma2 semaphore(%run_scoped3A : memref<!tpu.dma_semaphore, #tpu.memory_space<semaphore_mem>>) src(%dma_wait3A_75 : memref<1000xi32, #tpu.memory_space<vmem>>) dst(%dma_wait3A_73 : memref<1000xi32, #tpu.memory_space<hbm>>)
      tpu.yield
    }) : () -> ()
    %mul3A_53 = arith.constant 1000 : i32
    %mul3A_54 = arith.muli %add3A, %mul3A_53 : i32
    %add3A_55 = arith.constant 264000 : i32
    %add3A_56 = arith.addi %add3A_55, %mul3A_54 : i32
    "tpu.region"() ({
      %run_scoped3A = tpu.sem_alloc : memref<!tpu.dma_semaphore, #tpu.memory_space<semaphore_mem>>
      %dma_start3A = arith.constant 8000 : i32
      %dma_start3A_66 = tpu.memref_slice %arg9[%dma_start3A] : memref<10000xi32, #tpu.memory_space<vmem>> -> memref<1000xi32, #tpu.memory_space<vmem>>
      %dma_start3A_67 = tpu.memref_slice %arg5[%add3A_56] : memref<330000xi32, #tpu.memory_space<hbm>> -> memref<1000xi32, #tpu.memory_space<hbm>>
      %dma_start3A_68 = tpu.memref_slice %arg5[%add3A_56] : memref<330000xi32, #tpu.memory_space<hbm>> -> memref<1000xi32, #tpu.memory_space<hbm>>
      %dma_start3A_69 = arith.constant 8000 : i32
      %dma_start3A_70 = tpu.memref_slice %arg9[%dma_start3A_69] : memref<10000xi32, #tpu.memory_space<vmem>> -> memref<1000xi32, #tpu.memory_space<vmem>>
      tpu.enqueue_dma source(%dma_start3A_70 : memref<1000xi32, #tpu.memory_space<vmem>>) target(%dma_start3A_68 : memref<1000xi32, #tpu.memory_space<hbm>>) target_semaphore(%run_scoped3A : memref<!tpu.dma_semaphore, #tpu.memory_space<semaphore_mem>>)
      %dma_wait3A = arith.constant 8000 : i32
      %dma_wait3A_71 = tpu.memref_slice %arg9[%dma_wait3A] : memref<10000xi32, #tpu.memory_space<vmem>> -> memref<1000xi32, #tpu.memory_space<vmem>>
      %dma_wait3A_72 = tpu.memref_slice %arg5[%add3A_56] : memref<330000xi32, #tpu.memory_space<hbm>> -> memref<1000xi32, #tpu.memory_space<hbm>>
      %dma_wait3A_73 = tpu.memref_slice %arg5[%add3A_56] : memref<330000xi32, #tpu.memory_space<hbm>> -> memref<1000xi32, #tpu.memory_space<hbm>>
      %dma_wait3A_74 = arith.constant 8000 : i32
      %dma_wait3A_75 = tpu.memref_slice %arg9[%dma_wait3A_74] : memref<10000xi32, #tpu.memory_space<vmem>> -> memref<1000xi32, #tpu.memory_space<vmem>>
      tpu.wait_dma2 semaphore(%run_scoped3A : memref<!tpu.dma_semaphore, #tpu.memory_space<semaphore_mem>>) src(%dma_wait3A_75 : memref<1000xi32, #tpu.memory_space<vmem>>) dst(%dma_wait3A_73 : memref<1000xi32, #tpu.memory_space<hbm>>)
      tpu.yield
    }) : () -> ()
    %mul3A_57 = arith.constant 1000 : i32
    %mul3A_58 = arith.muli %add3A, %mul3A_57 : i32
    %add3A_59 = arith.constant 297000 : i32
    %add3A_60 = arith.addi %add3A_59, %mul3A_58 : i32
    "tpu.region"() ({
      %run_scoped3A = tpu.sem_alloc : memref<!tpu.dma_semaphore, #tpu.memory_space<semaphore_mem>>
      %dma_start3A = arith.constant 9000 : i32
      %dma_start3A_66 = tpu.memref_slice %arg9[%dma_start3A] : memref<10000xi32, #tpu.memory_space<vmem>> -> memref<1000xi32, #tpu.memory_space<vmem>>
      %dma_start3A_67 = tpu.memref_slice %arg5[%add3A_60] : memref<330000xi32, #tpu.memory_space<hbm>> -> memref<1000xi32, #tpu.memory_space<hbm>>
      %dma_start3A_68 = tpu.memref_slice %arg5[%add3A_60] : memref<330000xi32, #tpu.memory_space<hbm>> -> memref<1000xi32, #tpu.memory_space<hbm>>
      %dma_start3A_69 = arith.constant 9000 : i32
      %dma_start3A_70 = tpu.memref_slice %arg9[%dma_start3A_69] : memref<10000xi32, #tpu.memory_space<vmem>> -> memref<1000xi32, #tpu.memory_space<vmem>>
      tpu.enqueue_dma source(%dma_start3A_70 : memref<1000xi32, #tpu.memory_space<vmem>>) target(%dma_start3A_68 : memref<1000xi32, #tpu.memory_space<hbm>>) target_semaphore(%run_scoped3A : memref<!tpu.dma_semaphore, #tpu.memory_space<semaphore_mem>>)
      %dma_wait3A = arith.constant 9000 : i32
      %dma_wait3A_71 = tpu.memref_slice %arg9[%dma_wait3A] : memref<10000xi32, #tpu.memory_space<vmem>> -> memref<1000xi32, #tpu.memory_space<vmem>>
      %dma_wait3A_72 = tpu.memref_slice %arg5[%add3A_60] : memref<330000xi32, #tpu.memory_space<hbm>> -> memref<1000xi32, #tpu.memory_space<hbm>>
      %dma_wait3A_73 = tpu.memref_slice %arg5[%add3A_60] : memref<330000xi32, #tpu.memory_space<hbm>> -> memref<1000xi32, #tpu.memory_space<hbm>>
      %dma_wait3A_74 = arith.constant 9000 : i32
      %dma_wait3A_75 = tpu.memref_slice %arg9[%dma_wait3A_74] : memref<10000xi32, #tpu.memory_space<vmem>> -> memref<1000xi32, #tpu.memory_space<vmem>>
      tpu.wait_dma2 semaphore(%run_scoped3A : memref<!tpu.dma_semaphore, #tpu.memory_space<semaphore_mem>>) src(%dma_wait3A_75 : memref<1000xi32, #tpu.memory_space<vmem>>) dst(%dma_wait3A_73 : memref<1000xi32, #tpu.memory_space<hbm>>)
      tpu.yield
    }) : () -> ()
    %lt3A_61 = arith.constant 10 : i32
    %lt3A_62 = arith.cmpi slt, %add3A, %lt3A_61 : i32
    %convert_element_type3A_63 = arith.extui %lt3A_62 : i1 to i32
    %cond3A_64 = arith.constant 0 : i32
    %cond3A_65 = arith.cmpi ne, %convert_element_type3A_63, %cond3A_64 : i32
    scf.if %cond3A_65 {
      %mul3A_66 = arith.constant 1000 : i32
      %mul3A_67 = arith.muli %add3A, %mul3A_66 : i32
      "tpu.region"() ({
        %run_scoped3A = tpu.sem_alloc : memref<!tpu.dma_semaphore, #tpu.memory_space<semaphore_mem>>
        %dma_start3A = tpu.memref_slice %arg4[%mul3A_67] : memref<10000xi32, #tpu.memory_space<hbm>> -> memref<1000xi32, #tpu.memory_space<hbm>>
        %dma_start3A_74 = tpu.memref_slice %arg4[%mul3A_67] : memref<10000xi32, #tpu.memory_space<hbm>> -> memref<1000xi32, #tpu.memory_space<hbm>>
        tpu.enqueue_dma source(%dma_start3A_74 : memref<1000xi32, #tpu.memory_space<hbm>>) target(%arg10 : memref<1000xi32, #tpu.memory_space<vmem>>) target_semaphore(%run_scoped3A : memref<!tpu.dma_semaphore, #tpu.memory_space<semaphore_mem>>)
        %dma_wait3A = tpu.memref_slice %arg4[%mul3A_67] : memref<10000xi32, #tpu.memory_space<hbm>> -> memref<1000xi32, #tpu.memory_space<hbm>>
        %dma_wait3A_75 = tpu.memref_slice %arg4[%mul3A_67] : memref<10000xi32, #tpu.memory_space<hbm>> -> memref<1000xi32, #tpu.memory_space<hbm>>
        tpu.wait_dma2 semaphore(%run_scoped3A : memref<!tpu.dma_semaphore, #tpu.memory_space<semaphore_mem>>) src(%dma_wait3A_75 : memref<1000xi32, #tpu.memory_space<hbm>>) dst(%arg10 : memref<1000xi32, #tpu.memory_space<vmem>>)
        tpu.yield
      }) : () -> ()
      %mul3A_68 = arith.constant 33 : i32
      %mul3A_69 = arith.muli %add3A, %mul3A_68 : i32
      %mul3A_70 = arith.constant 1000 : i32
      %mul3A_71 = arith.muli %mul3A_69, %mul3A_70 : i32
      %add3A_72 = arith.constant 32000 : i32
      %add3A_73 = arith.addi %mul3A_71, %add3A_72 : i32
      "tpu.region"() ({
        %run_scoped3A = tpu.sem_alloc : memref<!tpu.dma_semaphore, #tpu.memory_space<semaphore_mem>>
        %dma_start3A = tpu.memref_slice %arg5[%add3A_73] : memref<330000xi32, #tpu.memory_space<hbm>> -> memref<1000xi32, #tpu.memory_space<hbm>>
        %dma_start3A_74 = tpu.memref_slice %arg5[%add3A_73] : memref<330000xi32, #tpu.memory_space<hbm>> -> memref<1000xi32, #tpu.memory_space<hbm>>
        tpu.enqueue_dma source(%arg10 : memref<1000xi32, #tpu.memory_space<vmem>>) target(%dma_start3A_74 : memref<1000xi32, #tpu.memory_space<hbm>>) target_semaphore(%run_scoped3A : memref<!tpu.dma_semaphore, #tpu.memory_space<semaphore_mem>>)
        %dma_wait3A = tpu.memref_slice %arg5[%add3A_73] : memref<330000xi32, #tpu.memory_space<hbm>> -> memref<1000xi32, #tpu.memory_space<hbm>>
        %dma_wait3A_75 = tpu.memref_slice %arg5[%add3A_73] : memref<330000xi32, #tpu.memory_space<hbm>> -> memref<1000xi32, #tpu.memory_space<hbm>>
        tpu.wait_dma2 semaphore(%run_scoped3A : memref<!tpu.dma_semaphore, #tpu.memory_space<semaphore_mem>>) src(%arg10 : memref<1000xi32, #tpu.memory_space<vmem>>) dst(%dma_wait3A_75 : memref<1000xi32, #tpu.memory_space<hbm>>)
        tpu.yield
      }) : () -> ()
    } else {
    }
    return
  }
}

module attributes {stable_mosaic.version = 14 : i64} {
  func.func @body(%arg0: i32, %arg1: memref<1000x256xf32, #tpu.memory_space<vmem>>, %arg2: memref<1x256xf32, #tpu.memory_space<vmem>>, %arg3: memref<1x1xf32, #tpu.memory_space<vmem>>, %arg4: memref<1x33x1000xi32, #tpu.memory_space<vmem>>, %arg5: memref<64x256xf32, #tpu.memory_space<vmem>>) attributes {dimension_semantics = [#tpu.dimension_semantics<arbitrary>], iteration_bounds = array<i64: 10>, scalar_prefetch = 0 : i64, scratch_operands = 0 : i64, tpu.core_type = #tpu.core_type<tc>, window_params = [{transform_indices = @transform_0, window_bounds = array<i64: 1000, 256>}, {pipeline_mode = #tpu.pipeline_mode<synchronous>, transform_indices = @transform_1, window_bounds = array<i64: 1, 256>}, {pipeline_mode = #tpu.pipeline_mode<synchronous>, transform_indices = @transform_2, window_bounds = array<i64: 1, 1>}, {transform_indices = @transform_3, window_bounds = array<i64: 1, 33, 1000>}, {pipeline_mode = #tpu.pipeline_mode<synchronous>, transform_indices = @transform_4, window_bounds = array<i64: 64, 256>}]} {
    %get3A = arith.constant 0 : index
    %get3A_0 = arith.constant 0 : index
    %get3A_1 = vector.load %arg1[%get3A, %get3A_0] : memref<1000x256xf32, #tpu.memory_space<vmem>>, vector<1000x256xf32>
    %get3A_2 = arith.constant 0 : index
    %get3A_3 = arith.constant 0 : index
    %get3A_4 = vector.load %arg2[%get3A_2, %get3A_3] : memref<1x256xf32, #tpu.memory_space<vmem>>, vector<1x256xf32>
    %mul3A = vector.broadcast %get3A_4 : vector<1x256xf32> to vector<1000x256xf32>
    %mul3A_5 = arith.mulf %get3A_1, %mul3A : vector<1000x256xf32>
    %reduce_sum3A = arith.constant dense<0.000000e+00> : vector<1000xf32>
    %reduce_sum3A_6 = vector.multi_reduction <add>, %mul3A_5, %reduce_sum3A [1] : vector<1000x256xf32> to vector<1000xf32>
    %get3A_7 = arith.constant 0 : index
    %get3A_8 = arith.constant 0 : index
    %get3A_9 = vector.load %arg3[%get3A_7, %get3A_8] : memref<1x1xf32, #tpu.memory_space<vmem>>, vector<1x1xf32>
    %get3A_10 = vector.extract %get3A_9[0, 0] : f32 from vector<1x1xf32>
    %add3A = vector.broadcast %get3A_10 : f32 to vector<1000xf32>
    %add3A_11 = arith.addf %reduce_sum3A_6, %add3A : vector<1000xf32>
    %neg3A = arith.constant 0.000000e+00 : f32
    %neg3A_12 = vector.broadcast %neg3A : f32 to vector<1000xf32>
    %neg3A_13 = arith.subf %neg3A_12, %add3A_11 : vector<1000xf32>
    %exp3A = math.exp %neg3A_13 : vector<1000xf32>
    %add3A_14 = arith.constant 1.000000e+00 : f32
    %add3A_15 = vector.broadcast %add3A_14 : f32 to vector<1000xf32>
    %add3A_16 = arith.addf %add3A_15, %exp3A : vector<1000xf32>
    %div3A = arith.constant 1.000000e+00 : f32
    %div3A_17 = vector.broadcast %div3A : f32 to vector<1000xf32>
    %div3A_18 = arith.divf %div3A_17, %add3A_16 : vector<1000xf32>
    %get3A_19 = arith.constant 0 : index
    %get3A_20 = arith.constant 0 : index
    %get3A_21 = arith.constant 0 : index
    %get3A_22 = vector.load %arg4[%get3A_19, %get3A_20, %get3A_21] : memref<1x33x1000xi32, #tpu.memory_space<vmem>>, vector<1x32x1000xi32>
    %get3A_23 = vector.shape_cast %get3A_22 : vector<1x32x1000xi32> to vector<32x1000xi32>
    %reduce_sum3A_24 = arith.constant dense<0> : vector<1000xi32>
    %reduce_sum3A_25 = vector.multi_reduction <add>, %get3A_23, %reduce_sum3A_24 [0] : vector<32x1000xi32> to vector<1000xi32>
    %gt3A = arith.constant 0 : i32
    %gt3A_26 = vector.broadcast %gt3A : i32 to vector<1000xi32>
    %gt3A_27 = arith.cmpi sgt, %reduce_sum3A_25, %gt3A_26 : vector<1000xi32>
    %jit3A = arith.constant 0.000000e+00 : f32
    %broadcast_in_dim3A = vector.broadcast %jit3A : f32 to vector<1000xf32>
    %select_n3A = arith.select %gt3A_27, %broadcast_in_dim3A, %div3A_18 : vector<1000xi1>, vector<1000xf32>
    %get3A_28 = arith.constant 0 : index
    %get3A_29 = arith.constant 32 : index
    %get3A_30 = arith.constant 0 : index
    %get3A_31 = vector.load %arg4[%get3A_28, %get3A_29, %get3A_30] : memref<1x33x1000xi32, #tpu.memory_space<vmem>>, vector<1x1x1000xi32>
    %get3A_32 = vector.shape_cast %get3A_31 : vector<1x1x1000xi32> to vector<1000xi32>
    %iota3A = tpu.iota {dimensions = array<i32: 0>} : vector<64x1000xi32>
    %broadcast_in_dim3A_33 = vector.shape_cast %get3A_32 : vector<1000xi32> to vector<1x1000xi32>
    %eq3A = vector.broadcast %broadcast_in_dim3A_33 : vector<1x1000xi32> to vector<64x1000xi32>
    %eq3A_34 = arith.cmpi eq, %iota3A, %eq3A : vector<64x1000xi32>
    %broadcast_in_dim3A_35 = vector.shape_cast %select_n3A : vector<1000xf32> to vector<1x1000xf32>
    %jit3A_36 = arith.constant 0.000000e+00 : f32
    %broadcast_in_dim3A_37 = vector.shape_cast %broadcast_in_dim3A_35 : vector<1x1000xf32> to vector<1x1000xf32>
    %broadcast_in_dim3A_38 = vector.broadcast %broadcast_in_dim3A_37 : vector<1x1000xf32> to vector<64x1000xf32>
    %broadcast_in_dim3A_39 = vector.broadcast %jit3A_36 : f32 to vector<64x1000xf32>
    %select_n3A_40 = arith.select %eq3A_34, %broadcast_in_dim3A_38, %broadcast_in_dim3A_39 : vector<64x1000xi1>, vector<64x1000xf32>
    %dot_general3A = arith.constant dense<0.000000e+00> : vector<64x256xf32>
    %dot_general3A_41 = tpu.matmul %select_n3A_40, %get3A_1, %dot_general3A {dimension_numbers = #tpu.dot_dimension_numbers<[1], [0], [0], [1], [0, 0, 1, 1], [], []>, transpose_lhs_hint = false} : vector<64x1000xf32>, vector<1000x256xf32>, vector<64x256xf32> -> vector<64x256xf32>
    %eq3A_42 = arith.constant 0 : i32
    %eq3A_43 = arith.cmpi eq, %arg0, %eq3A_42 : i32
    %convert_element_type3A = arith.extui %eq3A_43 : i1 to i32
    %cond3A = arith.constant 0 : i32
    %cond3A_44 = arith.cmpi ne, %convert_element_type3A, %cond3A : i32
    scf.if %cond3A_44 {
      %swap3A = arith.constant 0 : index
      %swap3A_50 = arith.constant 0 : index
      %swap3A_51 = vector.load %arg5[%swap3A, %swap3A_50] : memref<64x256xf32, #tpu.memory_space<vmem>>, vector<64x256xf32>
      tpu.vector_store %arg5[%swap3A, %swap3A_50], %dot_general3A_41 {strides = array<i32>} : memref<64x256xf32, #tpu.memory_space<vmem>>, vector<64x256xf32>,
    } else {
    }
    %gt3A_45 = arith.constant 0 : i32
    %gt3A_46 = arith.cmpi sgt, %arg0, %gt3A_45 : i32
    %convert_element_type3A_47 = arith.extui %gt3A_46 : i1 to i32
    %cond3A_48 = arith.constant 0 : i32
    %cond3A_49 = arith.cmpi ne, %convert_element_type3A_47, %cond3A_48 : i32
    scf.if %cond3A_49 {
      %get3A_50 = arith.constant 0 : index
      %get3A_51 = arith.constant 0 : index
      %get3A_52 = vector.load %arg5[%get3A_50, %get3A_51] : memref<64x256xf32, #tpu.memory_space<vmem>>, vector<64x256xf32>
      %add3A_53 = arith.addf %get3A_52, %dot_general3A_41 : vector<64x256xf32>
      %swap3A = arith.constant 0 : index
      %swap3A_54 = arith.constant 0 : index
      %swap3A_55 = vector.load %arg5[%swap3A, %swap3A_54] : memref<64x256xf32, #tpu.memory_space<vmem>>, vector<64x256xf32>
      tpu.vector_store %arg5[%swap3A, %swap3A_54], %add3A_53 {strides = array<i32>} : memref<64x256xf32, #tpu.memory_space<vmem>>, vector<64x256xf32>,
    } else {
    }
    return
  }
  func.func @transform_0(%arg0: i32) -> (i32, i32) {
    %c0_i32 = arith.constant 0 : i32
    %c0_i32_0 = arith.constant 0 : i32
    return %arg0, %c0_i32 : i32, i32
  }
  func.func @transform_1(%arg0: i32) -> (i32, i32) {
    %c0_i32 = arith.constant 0 : i32
    %c0_i32_0 = arith.constant 0 : i32
    %c0_i32_1 = arith.constant 0 : i32
    return %c0_i32, %c0_i32_0 : i32, i32
  }
  func.func @transform_2(%arg0: i32) -> (i32, i32) {
    %c0_i32 = arith.constant 0 : i32
    %c0_i32_0 = arith.constant 0 : i32
    %c0_i32_1 = arith.constant 0 : i32
    return %c0_i32, %c0_i32_0 : i32, i32
  }
  func.func @transform_3(%arg0: i32) -> (i32, i32, i32) {
    %c0_i32 = arith.constant 0 : i32
    %c0_i32_0 = arith.constant 0 : i32
    %c0_i32_1 = arith.constant 0 : i32
    return %arg0, %c0_i32, %c0_i32_0 : i32, i32, i32
  }
  func.func @transform_4(%arg0: i32) -> (i32, i32) {
    %c0_i32 = arith.constant 0 : i32
    %c0_i32_0 = arith.constant 0 : i32
    %c0_i32_1 = arith.constant 0 : i32
    return %c0_i32, %c0_i32_0 : i32, i32
  }
}

</mosaic_0001>

<sc_bundles>
// kernel: kernel.4.cloned.1.call-start
scs
__scs_entry_jumppad:
0x0: {  	(pc) =	sbr.rel $0x88, $3  }
0x1: {  	(tag) =	ssettag $0x0;
	lr =	simm.s32 $0x1  }
0x2: {  	[smem:$0x3F9B] =	sst lr;
	_ =	strace $0xD0000000  }
0x3: {  	_ = 	snop  }
0x4: {  	_ = 	snop  }
0x5: {  	_ = 	snop  }
0x6: {  	_ = 	snop  }
0x7: {  	_ = 	snop  }
__scs_overlays_trampoline_lowered:
0x8: {  	[smem:$0x3FAA] =	sst s0  }
0x9: {  	[smem:$0x3FAB] =	sst s1  }
0xa: {  	[smem:$0x3FAC] =	sst s2  }
0xb: {  	[smem:$0x3FAD] =	sst s3  }
0xc: {  	[smem:$0x3FAE] =	sst s4  }
0xd: {  	[smem:$0x3FAF] =	sst s5  }
0xe: {  	[smem:$0x3FB0] =	sst s6  }
0xf: {  	[smem:$0x3FB1] =	sst s7  }
0x10: {  	[smem:$0x3FB2] =	sst s8  }
0x11: {  	[smem:$0x3FB3] =	sst s9;
	s0 =	simm.s32 @!p0 $0x0  }
0x12: {  	s1 =	sld [smem:$0x3F99];
	s0 =	simm.s32 @p0 $0x1  }
0x13: {  	[smem:$0x3FB4] =	sst s0;
	s0 =	simm.s32 @!p1 $0x0  }
0x14: {  	s2 =	sld [smem:$0x3F98];
	s0 =	simm.s32 @p1 $0x1  }
0x15: {  	[smem:$0x3FB5] =	sst s0;
	s0 =	simm.s32 @!p2 $0x0  }
0x16: {  	s3 =	sld [smem:$0x3FDB];
	s0 =	simm.s32 @p2 $0x1  }
0x17: {  	s4 =	simm.s32 $0x1BF5;
	[smem:$0x3FB7] =	sst s0  }
0x18: {  	s0 =	sld [smem:$0x3F9A];
	_ =	swait.ge [sflag:s4], $0x0  }
0x19: {  	s7 =	sld [smem:$0x3F9B]  }
0x1a: {  	s8 =	sadd.s32 $0xFFFFE003, lr  }
0x1b: {  	s9 =	sadd.s32 $0xFFFFFEF7, lr;
	s5 =	simm.s32 $0xFFFFFFFF;
	p2 =	slt.u32 s8, $0xFFFFF086  }
0x1c: {  	p1 =	slt.u32 s9, $0xF7A;
	s5 =	simm.s32 @!p2 $0x0  }
0x1d: {  	s5 =	simm.s32 @p1 $0x1;
	p0 =	seq.s32 s7, s2  }
0x1e: {  	s7 =	smul.u32 @!p0 $0xF7A, s2;
	p2 =	seq.s32 @!p0 s5, $0x0  }
0x1f: {  	s9 =	smul.u32 $0xF7A, s1;
	s8 =	simm.s32 @!p0 $0x1BF5;
	p2 =	por !p2, p0  }
0x20: {  	[sflag:s8] =	ssyncset.s32 @!p0 $0xFFFFF086;
	s6 =	sadd.s32 @!p0 s3, s7;
	s7 =	simm.s32 @!p0 $0x108  }
0x21: {  	s3 =	sadd.s32 s3, s9;
	s6 =	sadd.s32 @!p0 $0x88, s6;
	s7 =	simm.s32 @p2 $0x1082  }
0x22: {  	[simem:s7], [sflag:s8] =	dma.local @!p0 [hbm:s6], $0xF7A  }
0x23: {  	s9 =	sor.u32 $0xD0000000, s2;
	s6 =	simm.s32 $0x108;
	_ =	swait.ge @!p0 [sflag:s8], $0x0  }
0x24: {  	s3 =	sadd.s32 $0x88, s3;
	s6 =	simm.s32 @!p1 $0x1082;
	[sflag:s4] =	ssyncset.s32 $0xFFFFF086  }
0x25: {  	[simem:s6], [sflag:s4] =	dma.local [hbm:s3], $0xF7A  }
0x26: {  	[smem:$0x3F9B] =	sst s1;
	(tag) =	ssettag s2;
	_ =	strace s9  }
0x27: {  	s1 =	sld [smem:$0x3FAB]  }
0x28: {  	s2 =	sld [smem:$0x3FAC]  }
0x29: {  	s4 =	sld [smem:$0x3FAE]  }
0x2a: {  	p0 =	seq.s32 s5, $0x0;
	s5 =	sld [smem:$0x3FAF]  }
0x2b: {  	s6 =	sld [smem:$0x3FB0]  }
0x2c: {  	s7 =	sld [smem:$0x3FB1]  }
0x2d: {  	s3 =	simm.s32 $0x108;
	s8 =	sld [smem:$0x3FB2]  }
0x2e: {  	s3 =	simm.s32 @!p0 $0x1082;
	s9 =	sld [smem:$0x3FB3]  }
0x2f: {  	lr =	sadd.s32 s0, s3;
	s0 =	sld [smem:$0x3FAA]  }
0x30: {  	s3 =	sld [smem:$0x3FAD]  }
0x31: {  	[smem:$0x3FB6] =	sst s10  }
0x32: {  	s10 =	sld [smem:$0x3FB4];
	_ =	sdelay $0x3  }
0x33: {  	p0 =	seq.s32 s10, $0x1;
	s10 =	sld [smem:$0x3FB6];
	_ =	sdelay $0x3  }
0x34: {  	[smem:$0x3FB6] =	sst s10  }
0x35: {  	s10 =	sld [smem:$0x3FB5];
	_ =	sdelay $0x3  }
0x36: {  	p1 =	seq.s32 s10, $0x1;
	s10 =	sld [smem:$0x3FB6];
	_ =	sdelay $0x3  }
0x37: {  	[smem:$0x3FB6] =	sst s10  }
0x38: {  	s10 =	sld [smem:$0x3FB7]  }
0x39: {  	_ = 	snop;
	(pc) =	sbr.ind lr, $3  }
0x3a: {  	_ = 	snop  }
0x3b: {  	_ = 	snop  }
0x3c: {  	p2 =	seq.s32 s10, $0x1;
	s10 =	sld [smem:$0x3FB6]  }
0x3d: {  	_ =	shalt  }
0x3e: {  	_ =	shalt  }
0x3f: {  	_ =	shalt  }
0x40: {  	_ =	shalt  }
0x41: {  	_ =	shalt  }
0x42: {  	_ =	shalt  }
0x43: {  	_ =	shalt  }
0x44: {  	_ =	shalt  }
0x45: {  	_ =	shalt  }
0x46: {  	_ =	shalt  }
0x47: {  	_ =	shalt  }
0x48: {  	_ =	shalt  }
0x49: {  	_ =	shalt  }
0x4a: {  	_ =	shalt  }
0x4b: {  	_ =	shalt  }
0x4c: {  	_ =	shalt  }
0x4d: {  	_ =	shalt  }
0x4e: {  	_ =	shalt  }
0x4f: {  	_ =	shalt  }
0x50: {  	_ =	shalt  }
0x51: {  	_ =	shalt  }
0x52: {  	_ =	shalt  }
0x53: {  	_ =	shalt  }
0x54: {  	_ =	shalt  }
0x55: {  	_ =	shalt  }
0x56: {  	_ =	shalt  }
0x57: {  	_ =	shalt  }
0x58: {  	_ =	shalt  }
0x59: {  	_ =	shalt  }
0x5a: {  	_ =	shalt  }
0x5b: {  	_ =	shalt  }
0x5c: {  	_ =	shalt  }
0x5d: {  	_ =	shalt  }
0x5e: {  	_ =	shalt  }
0x5f: {  	_ =	shalt  }
0x60: {  	_ =	shalt  }
0x61: {  	_ =	shalt  }
0x62: {  	_ =	shalt  }
0x63: {  	_ =	shalt  }
0x64: {  	_ =	shalt  }
0x65: {  	_ =	shalt  }
0x66: {  	_ =	shalt  }
0x67: {  	_ =	shalt  }
0x68: {  	_ =	shalt  }
0x69: {  	_ =	shalt  }
0x6a: {  	_ =	shalt  }
0x6b: {  	_ =	shalt  }
0x6c: {  	_ =	shalt  }
0x6d: {  	_ =	shalt  }
0x6e: {  	_ =	shalt  }
0x6f: {  	_ =	shalt  }
0x70: {  	_ =	shalt  }
0x71: {  	_ =	shalt  }
0x72: {  	_ =	shalt  }
0x73: {  	_ =	shalt  }
0x74: {  	_ =	shalt  }
0x75: {  	_ =	shalt  }
0x76: {  	_ =	shalt  }
0x77: {  	_ =	shalt  }
0x78: {  	_ =	shalt  }
0x79: {  	_ =	shalt  }
0x7a: {  	_ =	shalt  }
0x7b: {  	_ =	shalt  }
0x7c: {  	_ =	shalt  }
0x7d: {  	_ =	shalt  }
0x7e: {  	_ =	shalt  }
0x7f: {  	_ =	shalt  }
0x80: {  	_ =	shalt  }
0x81: {  	_ =	shalt  }
0x82: {  	_ =	shalt  }
0x83: {  	_ =	shalt  }
0x84: {  	_ =	shalt  }
0x85: {  	_ =	shalt  }
0x86: {  	_ =	shalt  }
0x87: {  	_ =	shalt  }
.Lfunc_end0:
.L_simem_size_0:
called_computation_lowered:
.L_overlay_start_0:
0x88: {  	s2 =	sld [smem:$0x3FD9]  }
0x89: {  	s3 =	sld [smem:$0x3FFE];
	_ =	sdelay $0x1  }
0x8a: {  	s1 =	srdreg.scid  }
0x8b: {  	s0 =	sand.u32 $0x1, s1  }
0x8c: {  	s17 =	sshll.u32 s0, $0xA;
	s2 =	sadd.s32 s3, s2  }
0x8d: {  	s2 =	sadd.s32 s2, s17  }
0x8e: {  	[smem:$0x3FC2] =	sst s2  }
0x8f: {  	_ = 	snop  }
0x90: {  	s2 =	sld [smem:$0x3FC8]  }
0x91: {  	s18 =	sld [smem:$0x3FC7]  }
0x92: {  	s4 =	sld [smem:$0x3FC6];
	(tm) =	ssettm $0x1  }
0x93: {  	s5 =	sld [smem:$0x3FFB];
	_ =	sdelay $0x3  }
0x94: {  	_ =	strace s5  }
0x95: {  	s5 =	sld [smem:$0x3FFC];
	_ =	sdelay $0x3  }
0x96: {  	_ =	strace s5  }
0x97: {  	s5 =	sld [smem:$0x3FFD];
	_ =	sdelay $0x3  }
0x98: {  	_ =	strace s5  }
0x99: {  	_ =	strace $0x8FFFFFFF  }
0x9a: {  	s19 =	sld [smem:$0x3FDB];
	_ =	sdelay $0x1  }
0x9b: {  	s6 =	simm.s32 $_scs_section_size  }
0x9c: {  	s7 =	simm.s32 $_size__tile_overlayer_lowered;
	s8 =	simm.s32 $_tile_overlayer_lowered  }
0x9d: {  	s22 =	simm.s32 $0x1BFF;
	s21 =	sshll.u32 s8, $0x1;
	s5 =	sadd.s32 s6, s19  }
0x9e: {  	s9 =	simm.s32 $0x0;
	s20 =	sshll.u32 s7, $0x1;
	s7 =	sadd.s32 s21, s5  }
0x9f: {  	[timem:s9], [sflag:s22] =	dma.local [hbm:s7], s20  }
0xa0: {  	_ =	swait.ge [sflag:s22], s20  }
0xa1: {  	s6 =	ssub.s32 $0x0, s20;
	[sflag:s22] =	ssyncset.done $0x0  }
0xa2: {  	[sflag:s22] =	ssyncadd.s32 s6;
	_ =	sdelay $0x1  }
0xa3: {  	s23 =	simm.s32 $0x1B8B  }
0xa4: {  	_ =	swait.ge [sflag:s23], $0x1  }
0xa5: {  	[sflag:s23] =	ssyncset.done $0x0  }
0xa6: {  	s25 =	simm.s32 $0x1B8E;
	s24 =	sld [smem:$0x3FFE];
	[sflag:s23] =	ssyncadd.s32 $0xFFFFFFFF  }
0xa7: {  	s26 =	simm.s32 $execute0_lowered;
	[smem:$0x3FD2] =	sst s25  }
0xa8: {  	s7 =	sshll.u32 s26, $0x1;
	_ =	strace $0x80000046;
	[dreg:$0x1] =	wrdreg $0xFFFFFFFF  }
0xa9: {  	s28 =	simm.s32 $_size_execute0_lowered;
	s5 =	sadd.s32 s5, s7;
	[dreg:$0x0] =	wrdreg $0x0  }
0xaa: {  	s7 =	sshll.u32 s28, $0x1;
	[dreg:$0x2] =	wrdreg s5  }
0xab: {  	[dreg:$0x3] =	wrdreg s7  }
0xac: {  	[dreg:$0x4] =	wrdreg $0xC0  }
0xad: {  	_ =	task [dreg:s9], $0x5FFFF  }
0xae: {  	[dreg:$0x1] =	wrdreg $0xFFFFFFFF  }
0xaf: {  	[dreg:$0x0] =	wrdreg $0x60  }
0xb0: {  	[dreg:$0x2] =	wrdreg s2  }
0xb1: {  	[dreg:$0x3] =	wrdreg s18  }
0xb2: {  	[dreg:$0x4] =	wrdreg s4  }
0xb3: {  	[dreg:$0x5] =	wrdreg s24  }
0xb4: {  	[dreg:$0x6] =	wrdreg $0x9  }
0xb5: {  	_ =	task.clear_ibuf [dreg:s9], $0x7FFFF;
	_ =	strace $0x90000046  }
0xb6: {  	s29 =	simm.s32 $0x9;
	_ =	strace $0x80000048  }
0xb7: {  	_ =	swait.ge [sflag:s29], $0x1  }
0xb8: {  	[sflag:s29] =	ssyncadd.s32 $0xFFFFFFFF  }
0xb9: {  	_ =	strace $0x90000048  }
0xba: {  	_ =	sfence  }
0xbb: {  	s30 =	sld [smem:$0x0];
	_ =	sdelay $0x2  }
0xbc: {  	s31 =	sshll.u32 s1, $0xD;
	s1 =	sshrl.u32 s1, $0x2  }
0xbd: {  	s3 =	sand.u32 $0x4000, s31;
	s1 =	sadd.s32 s1, s30  }
0xbe: {  	s0 =	sor.u32 s3, s0;
	s1 =	sshll.u32 s1, $0x11  }
0xbf: {  	s0 =	sor.u32 s1, s0  }
0xc0: {  	s0 =	sadd.s32 $0x8F2B, s0  }
0xc1: {  	[sflag:s0] =	ssyncadd.remote.s32 $0x1  }
0xc2: {  	_ =	sfence.sel $0xFFFF  }
0xc3: {  	[dreg:$0x0] =	wrdreg $0xFFFFFFFF;
	(pc) =	sbr.abs _section_cstart, $3  }
0xc4: {  	[dreg:$0x1] =	wrdreg $0xFFFFFFFF  }
0xc5: {  	_ =	task.clear_ibuf [dreg:s9], $0x2FFFF;
	_ =	strace $0x9FFFFFFF  }
0xc6: {  	(tm) =	ssettm $0x7FFFFFFF  }
0xc7: {  	_ =	shalt  }
tec
execute0_lowered:
.L_overlay_start_1:
0x0: {  	(tag) =	ssettag $0x1  }
0x1: {  	s0 =	rddreg [dreg:$0x0]  }
0x2: {  	s3 =	rddreg [dreg:$0x1]  }
0x3: {  	s14 =	rddreg [dreg:$0x2]  }
0x4: {  	s2 =	rddreg [dreg:$0x3]  }
0x5: {  	s4 =	srdreg.scid;
	s20 =	stileid.u32  }
0x6: {  	s1 =	simm.s32 $0x0;
	s28 =	simm.s32 $0x8240;
	s29 =	simm.s32 $0x8628  }
0x7: {  	s31 =	simm.s32 $0x0;
	s4 =	sand.u32 $0x1, s4;
	s5 =	sshll.u32 s20, $0x1  }
0x8: {  	[smem:$0x7FF] =	sst s1;
	s15 =	sadd.s32 $0x800, s2;
	p0 =	sne.s32 s20, $0x0  }
0x9: {  	p1 =	sgt.u32 s20, $0x4;
	s20 =	simm.s32 $0x66E8;
	s10 =	sor.u32 s4, s5  }
0xa: {  	_ =	strace $0x80000047;
	s17 =	ssub.s32 $0x2, s4;
	s5 =	smul.u32 $0x27, s10  }
0xb: {  	s18 =	smin.u32 s10, $0x2;
	s6 =	sshrl.u32 s17, $0x1;
	s12 =	smul.u32 $0x3E8, s10  }
0xc: {  	s13 =	smul.u32 $0x80E8, s10;
	s16 =	ssub.s32 s17, s6;
	s4 =	sadd.s32 s18, s5  }
0xd: {  	s21 =	sadd.s32 $0x80E8, s12;
	s17 =	sshrl.u32 s12, $0x3;
	s22 =	sadd.s32 $0x182B8, s12  }
0xe: {  	s24 =	sadd.s32 $0x28488, s12;
	s11 =	sadd.s32 $0x38658, s12;
	s26 =	sadd.s32 $0x48828, s12  }
0xf: {  	s18 =	sshrl.u32 s13, $0x3;
	s16 =	smax.u32 s16, $0x1;
	s19 =	sshll.u32 s4, $0x5  }
0x10: {  	s4 =	sshll.u32 s4, $0x4;
	s23 =	sshrl.u32 s22, $0x3;
	s25 =	sshrl.u32 s11, $0x3  }
0x11: {  	s14 =	sadd.s32 s14, s17;
	s30 =	sadd.s32 s15, s18;
	s22 =	simm.s32 $0x6EB8  }
0x12: {  	s2 =	sadd.s32 s0, s19;
	s3 =	sadd.s32 s3, s4;
	s0 =	sshrl.u32 s21, $0x3  }
0x13: {  	s4 =	sadd.s32 s15, s17;
	s7 =	sadd.s32 s15, s23;
	s11 =	sadd.s32 s15, s25  }
0x14: {  	s17 =	simm.s32 $0x1;
	s19 =	simm.s32 $0x6300;
	s21 =	simm.s32 $0x6AD0  }
.Ltmp0:
0x15: {  	s23 =	simm.s32 $0x72A0;
	s25 =	simm.s32 $0x7A70;
	(pc) =	sbr.rel .LBB2_1-.Ltmp0, $4  }
0x16: {  	s5 =	sadd.s32 s15, s0;
	s6 =	sadd.s32 $0x203A, s4;
	s8 =	sadd.s32 $0x4074, s4  }
0x17: {  	s0 =	sshrl.u32 s24, $0x3;
	s10 =	sadd.s32 $0x60AE, s4;
	s12 =	sadd.s32 $0x80E8, s4  }
0x18: {  	s24 =	simm.s32 $0x7688;
	s9 =	sadd.s32 s15, s0;
	s0 =	sshrl.u32 s26, $0x3  }
0x19: {  	v0 =	vimm.s32 $0x0;
	v1 =	vimm.s32 $0x1;
	s26 =	simm.s32 $0x7E58;
	s13 =	sadd.s32 s15, s0;
	s15 =	sadd.s32 $0xFA0, s30  }
.LBB2_8:
0x1a: {  	[hbm4b:s4+s1] =	stream.linear.scatter [tilespmem:s19], [sflag:$0x1], $0x3E8, $0x38;
	[tilespmem:$0x8E80] =	vst v63  }
0x1b: {  	_ =	swait.ge [sflag:s17], $0x3E8  }
0x1c: {  	[sflag:s17] =	ssyncset.done $0x0  }
0x1d: {  	[sflag:s17] =	ssyncadd.s32 $0xFFFFFC18  }
0x1e: {  	[hbm4b:s5+s1] =	stream.linear.scatter [tilespmem:s20], [sflag:$0x1], $0x3E8, $0x38;
	[tilespmem:$0x8E80] =	vst v63  }
0x1f: {  	_ =	swait.ge [sflag:s17], $0x3E8  }
0x20: {  	[sflag:s17] =	ssyncset.done $0x0  }
0x21: {  	[sflag:s17] =	ssyncadd.s32 $0xFFFFFC18  }
0x22: {  	[hbm4b:s6+s1] =	stream.linear.scatter [tilespmem:s21], [sflag:$0x1], $0x3E8, $0x38;
	[tilespmem:$0x8E80] =	vst v63  }
0x23: {  	_ =	swait.ge [sflag:s17], $0x3E8  }
0x24: {  	[sflag:s17] =	ssyncset.done $0x0  }
0x25: {  	[sflag:s17] =	ssyncadd.s32 $0xFFFFFC18  }
0x26: {  	[hbm4b:s7+s1] =	stream.linear.scatter [tilespmem:s22], [sflag:$0x1], $0x3E8, $0x38;
	[tilespmem:$0x8E80] =	vst v63  }
0x27: {  	_ =	swait.ge [sflag:s17], $0x3E8  }
0x28: {  	[sflag:s17] =	ssyncset.done $0x0  }
0x29: {  	[sflag:s17] =	ssyncadd.s32 $0xFFFFFC18  }
0x2a: {  	[hbm4b:s8+s1] =	stream.linear.scatter [tilespmem:s23], [sflag:$0x1], $0x3E8, $0x38;
	[tilespmem:$0x8E80] =	vst v63  }
0x2b: {  	_ =	swait.ge [sflag:s17], $0x3E8  }
0x2c: {  	[sflag:s17] =	ssyncset.done $0x0  }
0x2d: {  	[sflag:s17] =	ssyncadd.s32 $0xFFFFFC18  }
0x2e: {  	[hbm4b:s9+s1] =	stream.linear.scatter [tilespmem:s24], [sflag:$0x1], $0x3E8, $0x38;
	[tilespmem:$0x8E80] =	vst v63  }
0x2f: {  	_ =	swait.ge [sflag:s17], $0x3E8  }
0x30: {  	[sflag:s17] =	ssyncset.done $0x0  }
0x31: {  	[sflag:s17] =	ssyncadd.s32 $0xFFFFFC18  }
0x32: {  	[hbm4b:s10+s1] =	stream.linear.scatter [tilespmem:s25], [sflag:$0x1], $0x3E8, $0x38;
	[tilespmem:$0x8E80] =	vst v63  }
0x33: {  	_ =	swait.ge [sflag:s17], $0x3E8  }
0x34: {  	[sflag:s17] =	ssyncset.done $0x0  }
0x35: {  	[sflag:s17] =	ssyncadd.s32 $0xFFFFFC18  }
0x36: {  	[hbm4b:s11+s1] =	stream.linear.scatter [tilespmem:s26], [sflag:$0x1], $0x3E8, $0x38;
	[tilespmem:$0x8E80] =	vst v63  }
0x37: {  	_ =	swait.ge [sflag:s17], $0x3E8  }
0x38: {  	[sflag:s17] =	ssyncset.done $0x0  }
0x39: {  	[sflag:s17] =	ssyncadd.s32 $0xFFFFFC18  }
0x3a: {  	[hbm4b:s12+s1] =	stream.linear.scatter [tilespmem:s28], [sflag:$0x1], $0x3E8, $0x38;
	[tilespmem:$0x8E80] =	vst v63  }
0x3b: {  	_ =	swait.ge [sflag:s17], $0x3E8  }
0x3c: {  	[sflag:s17] =	ssyncset.done $0x0  }
0x3d: {  	[sflag:s17] =	ssyncadd.s32 $0xFFFFFC18  }
0x3e: {  	[hbm4b:s13+s1] =	stream.linear.scatter [tilespmem:s29], [sflag:$0x1], $0x3E8, $0x38;
	[tilespmem:$0x8E80] =	vst v63  }
0x3f: {  	_ =	swait.ge [sflag:s17], $0x3E8  }
0x40: {  	s0 =	simm.s32 @!p1 $0x0;
	[sflag:s17] =	ssyncset.done $0x0  }
0x41: {  	s18 =	simm.s32 @!p1 $0x8A80;
	s30 =	simm.s32 @!p1 $0x1;
	[sflag:s17] =	ssyncadd.s32 $0xFFFFFC18  }
0x42: {  	[tilespmem:s18], [sflag:$0x1] =	stream.linear.gather @!p1 [hbm4b:s14+s0], $0x3E8, $0x38;
	[tilespmem:$0x8E80] =	vst v63  }
0x43: {  	s31 =	sadd.s32 $0x1, s31;
	_ =	swait.ge @!p1 [sflag:s30], $0x3E8  }
0x44: {  	p2 =	sne.s32 s31, s16;
	[sflag:s30] =	ssyncset.done @!p1 $0x0  }
.Ltmp1:
0x45: {  	[sflag:s30] =	ssyncadd.s32 @!p1 $0xFFFFFC18;
	(pc) =	sbr.rel @!p2 .LBB2_9-.Ltmp1, $4  }
0x46: {  	[hbm4b:s15+s0] =	stream.linear.scatter @!p1 [tilespmem:s18], [sflag:$0x1], $0x3E8, $0x38;
	[tilespmem:$0x8E80] =	vst v63  }
0x47: {  	_ =	swait.ge @!p1 [sflag:s30], $0x3E8  }
0x48: {  	[sflag:s30] =	ssyncset.done @!p1 $0x0  }
0x49: {  	[sflag:s30] =	ssyncadd.s32 @!p1 $0xFFFFFC18  }
.LBB2_1:
0x4a: {  	s30 =	simm.s32 $0x140;
	s0 =	simm.s32 $0x0  }
.LBB2_2:
0x4b: {  	p2 =	sne.s32 s30, $0x9B00;
	[tilespmem:s0+$0x6340] =	vst v0;
	s18 =	smov.u32 s30;
	s30 =	sadd.s32 $0x140, s30  }
.Ltmp2:
0x4c: {  	[tilespmem:s0+$0x6330] =	vst v0;
	(pc) =	sbr.rel @p2 .LBB2_2-.Ltmp2, $4  }
0x4d: {  	[tilespmem:s0+$0x6320] =	vst v0  }
0x4e: {  	[tilespmem:s0+$0x6300] =	vst v0  }
0x4f: {  	[tilespmem:s0+$0x6310] =	vst v0  }
0x50: {  	s0 =	sshra.s32 s18, $0x2  }
.Ltmp3:
0x51: {  	[tilespmem:s0+$0x6340] =	vst v0;
	(pc) =	sbr.rel @!p0 .LBB2_4-.Ltmp3, $4  }
0x52: {  	[tilespmem:s0+$0x6330] =	vst v0  }
0x53: {  	[tilespmem:s0+$0x6320] =	vst v0  }
0x54: {  	[tilespmem:s0+$0x6300] =	vst v0  }
0x55: {  	[tilespmem:s0+$0x6310] =	vst v0;
	s0 =	simm.s32 $0x0  }
0x56: {  	s18 =	simm.s32 $0x2800  }
0x57: {  	[tilespmem:s18], [sflag:$0x1] =	stream.linear.gather [hbm4b:s2+s0], $0x2700, $0x38;
	[tilespmem:$0x8E80] =	vst v63  }
0x58: {  	_ =	swait.ge [sflag:s17], $0x2700  }
0x59: {  	[sflag:s17] =	ssyncset.done $0x0  }
0x5a: {  	s18 =	simm.s32 $0x4F00;
	[sflag:s17] =	ssyncadd.s32 $0xFFFFD900  }
0x5b: {  	[tilespmem:s18], [sflag:$0x1] =	stream.linear.gather [hbm4b:s3+s0], $0x1380, $0x38;
	[tilespmem:$0x8E80] =	vst v63  }
0x5c: {  	_ =	swait.ge [sflag:s17], $0x1380  }
0x5d: {  	[sflag:s17] =	ssyncset.done $0x0  }
0x5e: {  	s30 =	simm.s32 $0x2880;
	[sflag:s17] =	ssyncadd.s32 $0xFFFFEC80  }
.LBB2_7:
0x5f: {  	s18 =	sshra.s32 s0, $0x2  }
0x60: {  	v2 =	vld [tilespmem:s18+$0x4F00];
	_ =	sdelay $0x2  }
0x61: {  	v3 =	vld [tilespmem:s30+$0xFFFFFF80];
	_ =	sdelay $0x1  }
0x62: {  	vm0 =	veq.s32 v2, $0x1;
	_ =	sdelay $0x5  }
0x63: {  	[tilespmem:v3+s19+$0x0] =	vst.idx.msk vm0, v1  }
0x64: {  	v2 =	vld [tilespmem:s30+$0x0];
	_ =	sdelay $0x7  }
0x65: {  	[tilespmem:v2+s19+$0x0] =	vst.idx.msk vm0, v1  }
0x66: {  	v2 =	vld [tilespmem:s18+$0x4F10];
	_ =	sdelay $0x2  }
0x67: {  	v3 =	vld [tilespmem:s30+$0xFFFFFF90];
	_ =	sdelay $0x1  }
0x68: {  	vm9 =	veq.s32 v2, $0x1;
	_ =	sdelay $0x5  }
0x69: {  	[tilespmem:v3+s19+$0x0] =	vst.idx.msk vm9, v1  }
0x6a: {  	v2 =	vld [tilespmem:s30+$0x10];
	_ =	sdelay $0x7  }
0x6b: {  	[tilespmem:v2+s19+$0x0] =	vst.idx.msk vm9, v1  }
0x6c: {  	v2 =	vld [tilespmem:s18+$0x4F20];
	_ =	sdelay $0x2  }
0x6d: {  	v3 =	vld [tilespmem:s30+$0xFFFFFFA0];
	_ =	sdelay $0x1  }
0x6e: {  	vm10 =	veq.s32 v2, $0x1;
	_ =	sdelay $0x5  }
0x6f: {  	[tilespmem:v3+s19+$0x0] =	vst.idx.msk vm10, v1  }
0x70: {  	v2 =	vld [tilespmem:s30+$0x20];
	_ =	sdelay $0x7  }
0x71: {  	[tilespmem:v2+s19+$0x0] =	vst.idx.msk vm10, v1  }
0x72: {  	v2 =	vld [tilespmem:s18+$0x4F30];
	_ =	sdelay $0x2  }
0x73: {  	v3 =	vld [tilespmem:s30+$0xFFFFFFB0];
	_ =	sdelay $0x1  }
0x74: {  	vm11 =	veq.s32 v2, $0x1;
	_ =	sdelay $0x5  }
0x75: {  	[tilespmem:v3+s19+$0x0] =	vst.idx.msk vm11, v1  }
0x76: {  	v2 =	vld [tilespmem:s30+$0x30];
	_ =	sdelay $0x7  }
0x77: {  	[tilespmem:v2+s19+$0x0] =	vst.idx.msk vm11, v1  }
0x78: {  	v2 =	vld [tilespmem:s18+$0x4F40];
	_ =	sdelay $0x2  }
0x79: {  	v3 =	vld [tilespmem:s30+$0xFFFFFFC0];
	_ =	sdelay $0x1  }
0x7a: {  	vm12 =	veq.s32 v2, $0x1;
	_ =	sdelay $0x5  }
0x7b: {  	[tilespmem:v3+s19+$0x0] =	vst.idx.msk vm12, v1  }
0x7c: {  	v2 =	vld [tilespmem:s30+$0x40];
	_ =	sdelay $0x7  }
0x7d: {  	[tilespmem:v2+s19+$0x0] =	vst.idx.msk vm12, v1  }
0x7e: {  	v2 =	vld [tilespmem:s18+$0x4F50];
	_ =	sdelay $0x2  }
0x7f: {  	v3 =	vld [tilespmem:s30+$0xFFFFFFD0];
	_ =	sdelay $0x1  }
0x80: {  	vm13 =	veq.s32 v2, $0x1;
	_ =	sdelay $0x5  }
0x81: {  	[tilespmem:v3+s19+$0x0] =	vst.idx.msk vm13, v1  }
0x82: {  	v2 =	vld [tilespmem:s30+$0x50];
	_ =	sdelay $0x7  }
0x83: {  	[tilespmem:v2+s19+$0x0] =	vst.idx.msk vm13, v1  }
0x84: {  	v2 =	vld [tilespmem:s18+$0x4F60];
	_ =	sdelay $0x2  }
0x85: {  	v3 =	vld [tilespmem:s30+$0xFFFFFFE0];
	_ =	sdelay $0x1  }
0x86: {  	vm14 =	veq.s32 v2, $0x1;
	_ =	sdelay $0x5  }
0x87: {  	[tilespmem:v3+s19+$0x0] =	vst.idx.msk vm14, v1  }
0x88: {  	v2 =	vld [tilespmem:s30+$0x60];
	_ =	sdelay $0x7  }
0x89: {  	[tilespmem:v2+s19+$0x0] =	vst.idx.msk vm14, v1  }
0x8a: {  	v2 =	vld [tilespmem:s18+$0x4F70];
	_ =	sdelay $0x2  }
0x8b: {  	v3 =	vld [tilespmem:s30+$0xFFFFFFF0];
	_ =	sdelay $0x1  }
0x8c: {  	vm15 =	veq.s32 v2, $0x1;
	_ =	sdelay $0x5  }
0x8d: {  	[tilespmem:v3+s19+$0x0] =	vst.idx.msk vm15, v1  }
0x8e: {  	v2 =	vld [tilespmem:s30+$0x70];
	_ =	sdelay $0x2  }
0x8f: {  	p2 =	sne.s32 s0, $0x4C00  }
.Ltmp4:
0x90: {  	_ = 	snop;
	(pc) =	sbr.rel @p2 .LBB2_7-.Ltmp4, $2  }
0x91: {  	_ =	sdelay $0x2  }
0x92: {  	s0 =	sadd.s32 $0x200, s0;
	s30 =	sadd.s32 $0x100, s30;
	[tilespmem:v2+s19+$0x0] =	vst.idx.msk vm15, v1  }
.Ltmp5:
0x93: {  	_ = 	snop;
	(pc) =	sbr.rel .LBB2_8-.Ltmp5, $1  }
0x94: {  	_ =	sdelay $0x3  }
.LBB2_4:
0x95: {  	[tilespmem:s0], [sflag:$0x1] =	stream.linear.gather [hbm4b:s2+s0], $0x2800, $0x38;
	[tilespmem:$0x8E80] =	vst v63  }
0x96: {  	_ =	swait.ge [sflag:s17], $0x2800  }
0x97: {  	[sflag:s17] =	ssyncset.done $0x0  }
0x98: {  	s18 =	simm.s32 $0x4F00;
	[sflag:s17] =	ssyncadd.s32 $0xFFFFD800  }
0x99: {  	[tilespmem:s18], [sflag:$0x1] =	stream.linear.gather [hbm4b:s3+s0], $0x1400, $0x38;
	[tilespmem:$0x8E80] =	vst v63  }
0x9a: {  	_ =	swait.ge [sflag:s17], $0x1400  }
0x9b: {  	[sflag:s17] =	ssyncset.done $0x0  }
0x9c: {  	s30 =	simm.s32 $0x80;
	[sflag:s17] =	ssyncadd.s32 $0xFFFFEC00  }
.LBB2_5:
0x9d: {  	s18 =	sshra.s32 s0, $0x2  }
0x9e: {  	v2 =	vld [tilespmem:s18+$0x4F00];
	_ =	sdelay $0x2  }
0x9f: {  	v3 =	vld [tilespmem:s30+$0xFFFFFF80];
	_ =	sdelay $0x1  }
0xa0: {  	vm0 =	veq.s32 v2, $0x1;
	_ =	sdelay $0x5  }
0xa1: {  	[tilespmem:v3+s19+$0x0] =	vst.idx.msk vm0, v1  }
0xa2: {  	v2 =	vld [tilespmem:s30+$0x0];
	_ =	sdelay $0x7  }
0xa3: {  	[tilespmem:v2+s19+$0x0] =	vst.idx.msk vm0, v1  }
0xa4: {  	v2 =	vld [tilespmem:s18+$0x4F10];
	_ =	sdelay $0x2  }
0xa5: {  	v3 =	vld [tilespmem:s30+$0xFFFFFF90];
	_ =	sdelay $0x1  }
0xa6: {  	vm9 =	veq.s32 v2, $0x1;
	_ =	sdelay $0x5  }
0xa7: {  	[tilespmem:v3+s19+$0x0] =	vst.idx.msk vm9, v1  }
0xa8: {  	v2 =	vld [tilespmem:s30+$0x10];
	_ =	sdelay $0x7  }
0xa9: {  	[tilespmem:v2+s19+$0x0] =	vst.idx.msk vm9, v1  }
0xaa: {  	v2 =	vld [tilespmem:s18+$0x4F20];
	_ =	sdelay $0x2  }
0xab: {  	v3 =	vld [tilespmem:s30+$0xFFFFFFA0];
	_ =	sdelay $0x1  }
0xac: {  	vm10 =	veq.s32 v2, $0x1;
	_ =	sdelay $0x5  }
0xad: {  	[tilespmem:v3+s19+$0x0] =	vst.idx.msk vm10, v1  }
0xae: {  	v2 =	vld [tilespmem:s30+$0x20];
	_ =	sdelay $0x7  }
0xaf: {  	[tilespmem:v2+s19+$0x0] =	vst.idx.msk vm10, v1  }
0xb0: {  	v2 =	vld [tilespmem:s18+$0x4F30];
	_ =	sdelay $0x2  }
0xb1: {  	v3 =	vld [tilespmem:s30+$0xFFFFFFB0];
	_ =	sdelay $0x1  }
0xb2: {  	vm11 =	veq.s32 v2, $0x1;
	_ =	sdelay $0x5  }
0xb3: {  	[tilespmem:v3+s19+$0x0] =	vst.idx.msk vm11, v1  }
0xb4: {  	v2 =	vld [tilespmem:s30+$0x30];
	_ =	sdelay $0x7  }
0xb5: {  	[tilespmem:v2+s19+$0x0] =	vst.idx.msk vm11, v1  }
0xb6: {  	v2 =	vld [tilespmem:s18+$0x4F40];
	_ =	sdelay $0x2  }
0xb7: {  	v3 =	vld [tilespmem:s30+$0xFFFFFFC0];
	_ =	sdelay $0x1  }
0xb8: {  	vm12 =	veq.s32 v2, $0x1;
	_ =	sdelay $0x5  }
0xb9: {  	[tilespmem:v3+s19+$0x0] =	vst.idx.msk vm12, v1  }
0xba: {  	v2 =	vld [tilespmem:s30+$0x40];
	_ =	sdelay $0x7  }
0xbb: {  	[tilespmem:v2+s19+$0x0] =	vst.idx.msk vm12, v1  }
0xbc: {  	v2 =	vld [tilespmem:s18+$0x4F50];
	_ =	sdelay $0x2  }
0xbd: {  	v3 =	vld [tilespmem:s30+$0xFFFFFFD0];
	_ =	sdelay $0x1  }
0xbe: {  	vm13 =	veq.s32 v2, $0x1;
	_ =	sdelay $0x5  }
0xbf: {  	[tilespmem:v3+s19+$0x0] =	vst.idx.msk vm13, v1  }
0xc0: {  	v2 =	vld [tilespmem:s30+$0x50];
	_ =	sdelay $0x7  }
0xc1: {  	[tilespmem:v2+s19+$0x0] =	vst.idx.msk vm13, v1  }
0xc2: {  	v2 =	vld [tilespmem:s18+$0x4F60];
	_ =	sdelay $0x2  }
0xc3: {  	v3 =	vld [tilespmem:s30+$0xFFFFFFE0];
	_ =	sdelay $0x1  }
0xc4: {  	vm14 =	veq.s32 v2, $0x1;
	_ =	sdelay $0x5  }
0xc5: {  	[tilespmem:v3+s19+$0x0] =	vst.idx.msk vm14, v1  }
0xc6: {  	v2 =	vld [tilespmem:s30+$0x60];
	_ =	sdelay $0x7  }
0xc7: {  	[tilespmem:v2+s19+$0x0] =	vst.idx.msk vm14, v1  }
0xc8: {  	v2 =	vld [tilespmem:s18+$0x4F70];
	_ =	sdelay $0x2  }
0xc9: {  	v3 =	vld [tilespmem:s30+$0xFFFFFFF0];
	_ =	sdelay $0x1  }
0xca: {  	vm15 =	veq.s32 v2, $0x1;
	_ =	sdelay $0x5  }
0xcb: {  	[tilespmem:v3+s19+$0x0] =	vst.idx.msk vm15, v1  }
0xcc: {  	v2 =	vld [tilespmem:s30+$0x70];
	_ =	sdelay $0x2  }
0xcd: {  	p2 =	seq.s32 s0, $0x4E00  }
.Ltmp6:
0xce: {  	_ = 	snop;
	(pc) =	sbr.rel @!p2 .LBB2_5-.Ltmp6, $2  }
0xcf: {  	_ =	sdelay $0x2  }
0xd0: {  	s0 =	sadd.s32 $0x200, s0;
	s30 =	sadd.s32 $0x100, s30;
	[tilespmem:v2+s19+$0x0] =	vst.idx.msk vm15, v1  }
.Ltmp7:
0xd1: {  	_ = 	snop;
	(pc) =	sbr.rel .LBB2_8-.Ltmp7, $1  }
0xd2: {  	_ =	sdelay $0x3  }
.LBB2_9:
0xd3: {  	_ =	sfence.sel $0x180000  }
0xd4: {  	[bflag:$0x0] =	sbarrier.arrive $0xFFFF  }
0xd5: {  	_ =	strace $0x90000047  }
0xd6: {  	[bflag:$0x2] =	sbarrier.arrive $0xFFFF  }
0xd7: {  	s0 =	rddreg [dreg:$0x4]  }
0xd8: {  	s0 =	sadd.s32 @!p0 $0x100000, s0  }
0xd9: {  	[sflag:s0] =	ssyncadd.tile.s32 @!p0 $0x1;
	_ =	shalt  }
.Lfunc_end2:
_tile_overlayer_lowered:
.L_overlay_start_2:
0xda: {  	(tag) =	ssettag $0x2  }
0xdb: {  	s0 =	rddreg [dreg:$0x0];
	s2 =	stileid.u32  }
0xdc: {  	s1 =	rddreg [dreg:$0x1];
	p0 =	sne.s32 s2, $0x0  }
0xdd: {  	s3 =	rddreg [dreg:$0x2];
	[bflag:$0x3] =	sbarrier.arrive $0xFFFF;
	s2 =	simm.s32 @!p0 $0x1C01  }
0xde: {  	[timem:s3], [sflag:s2] =	dma.local @!p0 [hbm:s0], s1  }
0xdf: {  	s0 =	simm.s32 @!p0 $0x1  }
0xe0: {  	_ =	swait.ge @!p0 [sflag:s0], s1  }
0xe1: {  	s1 =	ssub.s32 @!p0 $0x0, s1;
	[sflag:s0] =	ssyncset.done @!p0 $0x0  }
0xe2: {  	[sflag:s0] =	ssyncadd.s32 @!p0 s1  }
0xe3: {  	[bflag:$0x3] =	sbarrier.arrive $0xFFFF  }
0xe4: {  	_ =	shalt  }

</sc_bundles>
